<compile_context>
chip_gen: v7x
topology: tpu7x:2x2x1
jax: 0.10.2.dev20260603
libtpu: 0.0.44.dev20260713+nightly
codegen_flags: <defaults>
</compile_context>

<pallas_src>
import jax
import jax.numpy as jnp
from jax import lax
from jax.experimental import pallas as pl
from jax.experimental.pallas import tpu as pltpu
from jax.experimental.pallas import tpu_sc as plsc

B = 4096
L = 200
D = 32
NC = 2
NS = 16
NW = NC * NS
BPW = B // NW
RB = 8
NCHUNKS = BPW // RB
SUB = 40
KSUB = L // SUB
LANES = 16


def _body(x_hbm, tok_hbm, pos_hbm, out_hbm, idx_v, rows_v, pos_v, sem_g):
    wid = lax.axis_index("s") * NC + lax.axis_index("c")
    pltpu.sync_copy(pos_hbm, pos_v)

    @pl.loop(0, NCHUNKS)
    def _chunk(c):
        b0 = wid * BPW + c * RB

        pltpu.sync_copy(x_hbm.at[pl.ds(b0, RB)], idx_v)

        for r in range(RB):
            for j in range(KSUB):
                pltpu.async_copy(
                    tok_hbm.at[idx_v.at[r, pl.ds(j * SUB, SUB)]],
                    rows_v.at[r, pl.ds(j * SUB, SUB)],
                    sem_g,
                )

        pltpu.make_async_copy(out_hbm.at[pl.ds(0, RB)], rows_v, sem_g).wait()

        @pl.loop(0, L)
        def _mul(l):
            p0 = pos_v[l, pl.ds(0, LANES)]
            p1 = pos_v[l, pl.ds(LANES, LANES)]
            for r in range(RB):
                rows_v[r, l, pl.ds(0, LANES)] = rows_v[r, l, pl.ds(0, LANES)] * p0
                rows_v[r, l, pl.ds(LANES, LANES)] = (
                    rows_v[r, l, pl.ds(LANES, LANES)] * p1
                )

        pltpu.sync_copy(rows_v, out_hbm.at[pl.ds(b0, RB)])


@jax.jit
def _encode(x, token_table, pos_table):
    mesh = plsc.VectorSubcoreMesh(core_axis_name="c", subcore_axis_name="s")
    k = pl.kernel(
        _body,
        out_type=jax.ShapeDtypeStruct((B, L, D), jnp.float32),
        mesh=mesh,
        compiler_params=pltpu.CompilerParams(use_tc_tiling_on_sc=False),
        scratch_types=[
            pltpu.VMEM((RB, L), jnp.int32),
            pltpu.VMEM((RB, L, D), jnp.float32),
            pltpu.VMEM((L, D), jnp.float32),
            pltpu.SemaphoreType.DMA,
        ],
    )
    return k(x, token_table, pos_table)


def kernel(x, token_table, pos_table):
    return _encode(x.astype(jnp.int32), token_table, pos_table)

# --- scband reference (transcript-rebuilt; emitter-appended) ---
"""Pipeline reference for scband-encoder-69621419868842 (READ-ONLY COPY).

The authoritative reference and input builder live on the scoring server;
editing this copy changes nothing except your own understanding.
"""

import jax, jax.numpy as jnp
import numpy as np

CLASSES = 1000000
DIMS = 32
BATCH = 4096
SEQ = 200

def setup_inputs(seed: int = 0) -> dict:
    key = jax.random.key(seed)
    k1, k2, k3 = jax.random.split(key, 3)
    x = jax.random.randint(k1, (BATCH, SEQ), 0, CLASSES, dtype=jnp.int64 if jax.config.jax_enable_x64 else jnp.int32)
    # flax Embed default init: normal(stddev=1/sqrt(dims)) approximated here
    token_table = jax.random.normal(k2, (CLASSES, DIMS), dtype=jnp.float32) * (1.0 / np.sqrt(DIMS))
    pos_table = jax.random.normal(k3, (SEQ, DIMS), dtype=jnp.float32) * (1.0 / np.sqrt(DIMS))
    return {"x": x, "token_table": token_table, "pos_table": pos_table}

def reference(x, token_table, pos_table):
    length = x.shape[1]
    tok = jnp.take(token_table, x, axis=0)              # [B, L, D] gather
    pos = jnp.take(pos_table, jnp.arange(length), axis=0)  # [L, D]
    return tok * pos[None, :, :]

if __name__ == "__main__":
    import jax
    _d = setup_inputs()
    print(jax.jit(kernel)(*tuple(_d.values())))

</pallas_src>

<mosaic_0001>
#map = affine_map<(d0, d1) -> (0, 0)>
#map1 = affine_map<(d0, d1) -> (0, 0, 0)>
module attributes {stable_mosaic.version = 14 : i64} {
  func.func @_body(%arg0: i32, %arg1: i32, %arg2: memref<4096x200xi32, #tpu.memory_space<hbm>>, %arg3: memref<1000000x32xf32, #tpu.memory_space<hbm>>, %arg4: memref<200x32xf32, #tpu.memory_space<hbm>>, %arg5: memref<4096x200x32xf32, #tpu.memory_space<hbm>>, %arg6: memref<8x200xi32, #tpu.memory_space<vmem>>, %arg7: memref<8x200x32xf32, #tpu.memory_space<vmem>>, %arg8: memref<200x32xf32, #tpu.memory_space<vmem>>, %arg9: memref<!tpu.dma_semaphore, #tpu.memory_space<semaphore_mem>>) attributes {dimension_semantics = [#tpu.dimension_semantics<core_parallel>, #tpu.dimension_semantics<subcore_parallel>], iteration_bounds = array<i64: 2, 16>, scalar_prefetch = 0 : i64, scratch_operands = 4 : i64, tpu.core_type = #tpu.core_type<sc_vector_subcore>, window_params = [{transform_indices = #map}, {transform_indices = #map}, {transform_indices = #map}, {transform_indices = #map1}]} {
    %mul3A = arith.constant 2 : i32
    %mul3A_0 = arith.muli %arg1, %mul3A : i32
    %add3A = arith.addi %mul3A_0, %arg0 : i32
    "tpu.region"() ({
      %run_scoped3A = tpu.sem_alloc : memref<!tpu.dma_semaphore, #tpu.memory_space<semaphore_mem>>
      tpu.enqueue_dma source(%arg4 : memref<200x32xf32, #tpu.memory_space<hbm>>) target(%arg8 : memref<200x32xf32, #tpu.memory_space<vmem>>) target_semaphore(%run_scoped3A : memref<!tpu.dma_semaphore, #tpu.memory_space<semaphore_mem>>)
      tpu.wait_dma2 semaphore(%run_scoped3A : memref<!tpu.dma_semaphore, #tpu.memory_space<semaphore_mem>>) src(%arg4 : memref<200x32xf32, #tpu.memory_space<hbm>>) dst(%arg8 : memref<200x32xf32, #tpu.memory_space<vmem>>)
      tpu.yield
    }) : () -> ()
    %scan3A = arith.constant 0 : i32
    %scan3A_1 = arith.constant 16 : i32
    %scan3A_2 = arith.addi %scan3A, %scan3A_1 : i32
    %scan3A_3 = arith.constant 1 : i32
    scf.for %scan3A_5 = %scan3A to %scan3A_2 step %scan3A_3  : i32 {
      %mul3A_6 = arith.constant 1 : i32
      %mul3A_7 = arith.muli %scan3A_5, %mul3A_6 : i32
      %add3A_8 = arith.constant 0 : i32
      %add3A_9 = arith.addi %add3A_8, %mul3A_7 : i32
      %mul3A_10 = arith.constant 128 : i32
      %mul3A_11 = arith.muli %add3A, %mul3A_10 : i32
      %mul3A_12 = arith.constant 8 : i32
      %mul3A_13 = arith.muli %add3A_9, %mul3A_12 : i32
      %add3A_14 = arith.addi %mul3A_11, %mul3A_13 : i32
      "tpu.region"() ({
        %run_scoped3A = tpu.sem_alloc : memref<!tpu.dma_semaphore, #tpu.memory_space<semaphore_mem>>
        %dma_start3A_506 = arith.constant 0 : i32
        %dma_start3A_507 = tpu.memref_slice %arg2[%add3A_14, %dma_start3A_506] : memref<4096x200xi32, #tpu.memory_space<hbm>> -> memref<8x200xi32, #tpu.memory_space<hbm>>
        %dma_start3A_508 = arith.constant 0 : i32
        %dma_start3A_509 = tpu.memref_slice %arg2[%add3A_14, %dma_start3A_508] : memref<4096x200xi32, #tpu.memory_space<hbm>> -> memref<8x200xi32, #tpu.memory_space<hbm>>
        tpu.enqueue_dma source(%dma_start3A_509 : memref<8x200xi32, #tpu.memory_space<hbm>>) target(%arg6 : memref<8x200xi32, #tpu.memory_space<vmem>>) target_semaphore(%run_scoped3A : memref<!tpu.dma_semaphore, #tpu.memory_space<semaphore_mem>>)
        %dma_wait3A_510 = arith.constant 0 : i32
        %dma_wait3A_511 = tpu.memref_slice %arg2[%add3A_14, %dma_wait3A_510] : memref<4096x200xi32, #tpu.memory_space<hbm>> -> memref<8x200xi32, #tpu.memory_space<hbm>>
        %dma_wait3A_512 = arith.constant 0 : i32
        %dma_wait3A_513 = tpu.memref_slice %arg2[%add3A_14, %dma_wait3A_512] : memref<4096x200xi32, #tpu.memory_space<hbm>> -> memref<8x200xi32, #tpu.memory_space<hbm>>
        tpu.wait_dma2 semaphore(%run_scoped3A : memref<!tpu.dma_semaphore, #tpu.memory_space<semaphore_mem>>) src(%dma_wait3A_513 : memref<8x200xi32, #tpu.memory_space<hbm>>) dst(%arg6 : memref<8x200xi32, #tpu.memory_space<vmem>>)
        tpu.yield
      }) : () -> ()
      %dma_start3A = arith.constant 0 : i32
      %dma_start3A_15 = arith.constant 0 : i32
      %dma_start3A_16 = arith.constant 0 : i32
      %dma_start3A_17 = arith.constant 0 : i32
      %dma_start3A_18 = tpu.memref_slice %arg7[%dma_start3A_15, %dma_start3A_16, %dma_start3A_17] : memref<8x200x32xf32, #tpu.memory_space<vmem>> -> memref<1x40x32xf32, #tpu.memory_space<vmem>>
      %dma_start3A_19 = tpu.memref_squeeze %dma_start3A_18 : memref<1x40x32xf32, #tpu.memory_space<vmem>> -> memref<40x32xf32, #tpu.memory_space<vmem>>
      %dma_start3A_20 = arith.constant 0 : i32
      %dma_start3A_21 = tpu.memref_slice %arg6[%dma_start3A, %dma_start3A_20] : memref<8x200xi32, #tpu.memory_space<vmem>> -> memref<1x40xi32, #tpu.memory_space<vmem>>
      %dma_start3A_22 = tpu.memref_squeeze %dma_start3A_21 : memref<1x40xi32, #tpu.memory_space<vmem>> -> memref<40xi32, #tpu.memory_space<vmem>>
      %dma_start3A_23 = arith.constant 0 : i32
      %dma_start3A_24 = arith.constant 0 : i32
      %dma_start3A_25 = tpu.memref_slice %arg3[%dma_start3A_23, %dma_start3A_24] : memref<1000000x32xf32, #tpu.memory_space<hbm>> -> memref<1000000x32xf32, #tpu.memory_space<hbm>>
      tpu.enqueue_indirect_dma source(%dma_start3A_25 : memref<1000000x32xf32, #tpu.memory_space<hbm>>) target(%dma_start3A_19 : memref<40x32xf32, #tpu.memory_space<vmem>>) offsets(%dma_start3A_22 : memref<40xi32, #tpu.memory_space<vmem>>) semaphore(%arg9 : memref<!tpu.dma_semaphore, #tpu.memory_space<semaphore_mem>>)
      %dma_start3A_26 = arith.constant 0 : i32
      %dma_start3A_27 = arith.constant 0 : i32
      %dma_start3A_28 = arith.constant 40 : i32
      %dma_start3A_29 = arith.constant 0 : i32
      %dma_start3A_30 = tpu.memref_slice %arg7[%dma_start3A_27, %dma_start3A_28, %dma_start3A_29] : memref<8x200x32xf32, #tpu.memory_space<vmem>> -> memref<1x40x32xf32, #tpu.memory_space<vmem>>
      %dma_start3A_31 = tpu.memref_squeeze %dma_start3A_30 : memref<1x40x32xf32, #tpu.memory_space<vmem>> -> memref<40x32xf32, #tpu.memory_space<vmem>>
      %dma_start3A_32 = arith.constant 40 : i32
      %dma_start3A_33 = tpu.memref_slice %arg6[%dma_start3A_26, %dma_start3A_32] : memref<8x200xi32, #tpu.memory_space<vmem>> -> memref<1x40xi32, #tpu.memory_space<vmem>>
      %dma_start3A_34 = tpu.memref_squeeze %dma_start3A_33 : memref<1x40xi32, #tpu.memory_space<vmem>> -> memref<40xi32, #tpu.memory_space<vmem>>
      %dma_start3A_35 = arith.constant 0 : i32
      %dma_start3A_36 = arith.constant 0 : i32
      %dma_start3A_37 = tpu.memref_slice %arg3[%dma_start3A_35, %dma_start3A_36] : memref<1000000x32xf32, #tpu.memory_space<hbm>> -> memref<1000000x32xf32, #tpu.memory_space<hbm>>
      tpu.enqueue_indirect_dma source(%dma_start3A_37 : memref<1000000x32xf32, #tpu.memory_space<hbm>>) target(%dma_start3A_31 : memref<40x32xf32, #tpu.memory_space<vmem>>) offsets(%dma_start3A_34 : memref<40xi32, #tpu.memory_space<vmem>>) semaphore(%arg9 : memref<!tpu.dma_semaphore, #tpu.memory_space<semaphore_mem>>)
      %dma_start3A_38 = arith.constant 0 : i32
      %dma_start3A_39 = arith.constant 0 : i32
      %dma_start3A_40 = arith.constant 80 : i32
      %dma_start3A_41 = arith.constant 0 : i32
      %dma_start3A_42 = tpu.memref_slice %arg7[%dma_start3A_39, %dma_start3A_40, %dma_start3A_41] : memref<8x200x32xf32, #tpu.memory_space<vmem>> -> memref<1x40x32xf32, #tpu.memory_space<vmem>>
      %dma_start3A_43 = tpu.memref_squeeze %dma_start3A_42 : memref<1x40x32xf32, #tpu.memory_space<vmem>> -> memref<40x32xf32, #tpu.memory_space<vmem>>
      %dma_start3A_44 = arith.constant 80 : i32
      %dma_start3A_45 = tpu.memref_slice %arg6[%dma_start3A_38, %dma_start3A_44] : memref<8x200xi32, #tpu.memory_space<vmem>> -> memref<1x40xi32, #tpu.memory_space<vmem>>
      %dma_start3A_46 = tpu.memref_squeeze %dma_start3A_45 : memref<1x40xi32, #tpu.memory_space<vmem>> -> memref<40xi32, #tpu.memory_space<vmem>>
      %dma_start3A_47 = arith.constant 0 : i32
      %dma_start3A_48 = arith.constant 0 : i32
      %dma_start3A_49 = tpu.memref_slice %arg3[%dma_start3A_47, %dma_start3A_48] : memref<1000000x32xf32, #tpu.memory_space<hbm>> -> memref<1000000x32xf32, #tpu.memory_space<hbm>>
      tpu.enqueue_indirect_dma source(%dma_start3A_49 : memref<1000000x32xf32, #tpu.memory_space<hbm>>) target(%dma_start3A_43 : memref<40x32xf32, #tpu.memory_space<vmem>>) offsets(%dma_start3A_46 : memref<40xi32, #tpu.memory_space<vmem>>) semaphore(%arg9 : memref<!tpu.dma_semaphore, #tpu.memory_space<semaphore_mem>>)
      %dma_start3A_50 = arith.constant 0 : i32
      %dma_start3A_51 = arith.constant 0 : i32
      %dma_start3A_52 = arith.constant 120 : i32
      %dma_start3A_53 = arith.constant 0 : i32
      %dma_start3A_54 = tpu.memref_slice %arg7[%dma_start3A_51, %dma_start3A_52, %dma_start3A_53] : memref<8x200x32xf32, #tpu.memory_space<vmem>> -> memref<1x40x32xf32, #tpu.memory_space<vmem>>
      %dma_start3A_55 = tpu.memref_squeeze %dma_start3A_54 : memref<1x40x32xf32, #tpu.memory_space<vmem>> -> memref<40x32xf32, #tpu.memory_space<vmem>>
      %dma_start3A_56 = arith.constant 120 : i32
      %dma_start3A_57 = tpu.memref_slice %arg6[%dma_start3A_50, %dma_start3A_56] : memref<8x200xi32, #tpu.memory_space<vmem>> -> memref<1x40xi32, #tpu.memory_space<vmem>>
      %dma_start3A_58 = tpu.memref_squeeze %dma_start3A_57 : memref<1x40xi32, #tpu.memory_space<vmem>> -> memref<40xi32, #tpu.memory_space<vmem>>
      %dma_start3A_59 = arith.constant 0 : i32
      %dma_start3A_60 = arith.constant 0 : i32
      %dma_start3A_61 = tpu.memref_slice %arg3[%dma_start3A_59, %dma_start3A_60] : memref<1000000x32xf32, #tpu.memory_space<hbm>> -> memref<1000000x32xf32, #tpu.memory_space<hbm>>
      tpu.enqueue_indirect_dma source(%dma_start3A_61 : memref<1000000x32xf32, #tpu.memory_space<hbm>>) target(%dma_start3A_55 : memref<40x32xf32, #tpu.memory_space<vmem>>) offsets(%dma_start3A_58 : memref<40xi32, #tpu.memory_space<vmem>>) semaphore(%arg9 : memref<!tpu.dma_semaphore, #tpu.memory_space<semaphore_mem>>)
      %dma_start3A_62 = arith.constant 0 : i32
      %dma_start3A_63 = arith.constant 0 : i32
      %dma_start3A_64 = arith.constant 160 : i32
      %dma_start3A_65 = arith.constant 0 : i32
      %dma_start3A_66 = tpu.memref_slice %arg7[%dma_start3A_63, %dma_start3A_64, %dma_start3A_65] : memref<8x200x32xf32, #tpu.memory_space<vmem>> -> memref<1x40x32xf32, #tpu.memory_space<vmem>>
      %dma_start3A_67 = tpu.memref_squeeze %dma_start3A_66 : memref<1x40x32xf32, #tpu.memory_space<vmem>> -> memref<40x32xf32, #tpu.memory_space<vmem>>
      %dma_start3A_68 = arith.constant 160 : i32
      %dma_start3A_69 = tpu.memref_slice %arg6[%dma_start3A_62, %dma_start3A_68] : memref<8x200xi32, #tpu.memory_space<vmem>> -> memref<1x40xi32, #tpu.memory_space<vmem>>
      %dma_start3A_70 = tpu.memref_squeeze %dma_start3A_69 : memref<1x40xi32, #tpu.memory_space<vmem>> -> memref<40xi32, #tpu.memory_space<vmem>>
      %dma_start3A_71 = arith.constant 0 : i32
      %dma_start3A_72 = arith.constant 0 : i32
      %dma_start3A_73 = tpu.memref_slice %arg3[%dma_start3A_71, %dma_start3A_72] : memref<1000000x32xf32, #tpu.memory_space<hbm>> -> memref<1000000x32xf32, #tpu.memory_space<hbm>>
      tpu.enqueue_indirect_dma source(%dma_start3A_73 : memref<1000000x32xf32, #tpu.memory_space<hbm>>) target(%dma_start3A_67 : memref<40x32xf32, #tpu.memory_space<vmem>>) offsets(%dma_start3A_70 : memref<40xi32, #tpu.memory_space<vmem>>) semaphore(%arg9 : memref<!tpu.dma_semaphore, #tpu.memory_space<semaphore_mem>>)
      %dma_start3A_74 = arith.constant 1 : i32
      %dma_start3A_75 = arith.constant 1 : i32
      %dma_start3A_76 = arith.constant 0 : i32
      %dma_start3A_77 = arith.constant 0 : i32
      %dma_start3A_78 = tpu.memref_slice %arg7[%dma_start3A_75, %dma_start3A_76, %dma_start3A_77] : memref<8x200x32xf32, #tpu.memory_space<vmem>> -> memref<1x40x32xf32, #tpu.memory_space<vmem>>
      %dma_start3A_79 = tpu.memref_squeeze %dma_start3A_78 : memref<1x40x32xf32, #tpu.memory_space<vmem>> -> memref<40x32xf32, #tpu.memory_space<vmem>>
      %dma_start3A_80 = arith.constant 0 : i32
      %dma_start3A_81 = tpu.memref_slice %arg6[%dma_start3A_74, %dma_start3A_80] : memref<8x200xi32, #tpu.memory_space<vmem>> -> memref<1x40xi32, #tpu.memory_space<vmem>>
      %dma_start3A_82 = tpu.memref_squeeze %dma_start3A_81 : memref<1x40xi32, #tpu.memory_space<vmem>> -> memref<40xi32, #tpu.memory_space<vmem>>
      %dma_start3A_83 = arith.constant 0 : i32
      %dma_start3A_84 = arith.constant 0 : i32
      %dma_start3A_85 = tpu.memref_slice %arg3[%dma_start3A_83, %dma_start3A_84] : memref<1000000x32xf32, #tpu.memory_space<hbm>> -> memref<1000000x32xf32, #tpu.memory_space<hbm>>
      tpu.enqueue_indirect_dma source(%dma_start3A_85 : memref<1000000x32xf32, #tpu.memory_space<hbm>>) target(%dma_start3A_79 : memref<40x32xf32, #tpu.memory_space<vmem>>) offsets(%dma_start3A_82 : memref<40xi32, #tpu.memory_space<vmem>>) semaphore(%arg9 : memref<!tpu.dma_semaphore, #tpu.memory_space<semaphore_mem>>)
      %dma_start3A_86 = arith.constant 1 : i32
      %dma_start3A_87 = arith.constant 1 : i32
      %dma_start3A_88 = arith.constant 40 : i32
      %dma_start3A_89 = arith.constant 0 : i32
      %dma_start3A_90 = tpu.memref_slice %arg7[%dma_start3A_87, %dma_start3A_88, %dma_start3A_89] : memref<8x200x32xf32, #tpu.memory_space<vmem>> -> memref<1x40x32xf32, #tpu.memory_space<vmem>>
      %dma_start3A_91 = tpu.memref_squeeze %dma_start3A_90 : memref<1x40x32xf32, #tpu.memory_space<vmem>> -> memref<40x32xf32, #tpu.memory_space<vmem>>
      %dma_start3A_92 = arith.constant 40 : i32
      %dma_start3A_93 = tpu.memref_slice %arg6[%dma_start3A_86, %dma_start3A_92] : memref<8x200xi32, #tpu.memory_space<vmem>> -> memref<1x40xi32, #tpu.memory_space<vmem>>
      %dma_start3A_94 = tpu.memref_squeeze %dma_start3A_93 : memref<1x40xi32, #tpu.memory_space<vmem>> -> memref<40xi32, #tpu.memory_space<vmem>>
      %dma_start3A_95 = arith.constant 0 : i32
      %dma_start3A_96 = arith.constant 0 : i32
      %dma_start3A_97 = tpu.memref_slice %arg3[%dma_start3A_95, %dma_start3A_96] : memref<1000000x32xf32, #tpu.memory_space<hbm>> -> memref<1000000x32xf32, #tpu.memory_space<hbm>>
      tpu.enqueue_indirect_dma source(%dma_start3A_97 : memref<1000000x32xf32, #tpu.memory_space<hbm>>) target(%dma_start3A_91 : memref<40x32xf32, #tpu.memory_space<vmem>>) offsets(%dma_start3A_94 : memref<40xi32, #tpu.memory_space<vmem>>) semaphore(%arg9 : memref<!tpu.dma_semaphore, #tpu.memory_space<semaphore_mem>>)
      %dma_start3A_98 = arith.constant 1 : i32
      %dma_start3A_99 = arith.constant 1 : i32
      %dma_start3A_100 = arith.constant 80 : i32
      %dma_start3A_101 = arith.constant 0 : i32
      %dma_start3A_102 = tpu.memref_slice %arg7[%dma_start3A_99, %dma_start3A_100, %dma_start3A_101] : memref<8x200x32xf32, #tpu.memory_space<vmem>> -> memref<1x40x32xf32, #tpu.memory_space<vmem>>
      %dma_start3A_103 = tpu.memref_squeeze %dma_start3A_102 : memref<1x40x32xf32, #tpu.memory_space<vmem>> -> memref<40x32xf32, #tpu.memory_space<vmem>>
      %dma_start3A_104 = arith.constant 80 : i32
      %dma_start3A_105 = tpu.memref_slice %arg6[%dma_start3A_98, %dma_start3A_104] : memref<8x200xi32, #tpu.memory_space<vmem>> -> memref<1x40xi32, #tpu.memory_space<vmem>>
      %dma_start3A_106 = tpu.memref_squeeze %dma_start3A_105 : memref<1x40xi32, #tpu.memory_space<vmem>> -> memref<40xi32, #tpu.memory_space<vmem>>
      %dma_start3A_107 = arith.constant 0 : i32
      %dma_start3A_108 = arith.constant 0 : i32
      %dma_start3A_109 = tpu.memref_slice %arg3[%dma_start3A_107, %dma_start3A_108] : memref<1000000x32xf32, #tpu.memory_space<hbm>> -> memref<1000000x32xf32, #tpu.memory_space<hbm>>
      tpu.enqueue_indirect_dma source(%dma_start3A_109 : memref<1000000x32xf32, #tpu.memory_space<hbm>>) target(%dma_start3A_103 : memref<40x32xf32, #tpu.memory_space<vmem>>) offsets(%dma_start3A_106 : memref<40xi32, #tpu.memory_space<vmem>>) semaphore(%arg9 : memref<!tpu.dma_semaphore, #tpu.memory_space<semaphore_mem>>)
      %dma_start3A_110 = arith.constant 1 : i32
      %dma_start3A_111 = arith.constant 1 : i32
      %dma_start3A_112 = arith.constant 120 : i32
      %dma_start3A_113 = arith.constant 0 : i32
      %dma_start3A_114 = tpu.memref_slice %arg7[%dma_start3A_111, %dma_start3A_112, %dma_start3A_113] : memref<8x200x32xf32, #tpu.memory_space<vmem>> -> memref<1x40x32xf32, #tpu.memory_space<vmem>>
      %dma_start3A_115 = tpu.memref_squeeze %dma_start3A_114 : memref<1x40x32xf32, #tpu.memory_space<vmem>> -> memref<40x32xf32, #tpu.memory_space<vmem>>
      %dma_start3A_116 = arith.constant 120 : i32
      %dma_start3A_117 = tpu.memref_slice %arg6[%dma_start3A_110, %dma_start3A_116] : memref<8x200xi32, #tpu.memory_space<vmem>> -> memref<1x40xi32, #tpu.memory_space<vmem>>
      %dma_start3A_118 = tpu.memref_squeeze %dma_start3A_117 : memref<1x40xi32, #tpu.memory_space<vmem>> -> memref<40xi32, #tpu.memory_space<vmem>>
      %dma_start3A_119 = arith.constant 0 : i32
      %dma_start3A_120 = arith.constant 0 : i32
      %dma_start3A_121 = tpu.memref_slice %arg3[%dma_start3A_119, %dma_start3A_120] : memref<1000000x32xf32, #tpu.memory_space<hbm>> -> memref<1000000x32xf32, #tpu.memory_space<hbm>>
      tpu.enqueue_indirect_dma source(%dma_start3A_121 : memref<1000000x32xf32, #tpu.memory_space<hbm>>) target(%dma_start3A_115 : memref<40x32xf32, #tpu.memory_space<vmem>>) offsets(%dma_start3A_118 : memref<40xi32, #tpu.memory_space<vmem>>) semaphore(%arg9 : memref<!tpu.dma_semaphore, #tpu.memory_space<semaphore_mem>>)
      %dma_start3A_122 = arith.constant 1 : i32
      %dma_start3A_123 = arith.constant 1 : i32
      %dma_start3A_124 = arith.constant 160 : i32
      %dma_start3A_125 = arith.constant 0 : i32
      %dma_start3A_126 = tpu.memref_slice %arg7[%dma_start3A_123, %dma_start3A_124, %dma_start3A_125] : memref<8x200x32xf32, #tpu.memory_space<vmem>> -> memref<1x40x32xf32, #tpu.memory_space<vmem>>
      %dma_start3A_127 = tpu.memref_squeeze %dma_start3A_126 : memref<1x40x32xf32, #tpu.memory_space<vmem>> -> memref<40x32xf32, #tpu.memory_space<vmem>>
      %dma_start3A_128 = arith.constant 160 : i32
      %dma_start3A_129 = tpu.memref_slice %arg6[%dma_start3A_122, %dma_start3A_128] : memref<8x200xi32, #tpu.memory_space<vmem>> -> memref<1x40xi32, #tpu.memory_space<vmem>>
      %dma_start3A_130 = tpu.memref_squeeze %dma_start3A_129 : memref<1x40xi32, #tpu.memory_space<vmem>> -> memref<40xi32, #tpu.memory_space<vmem>>
      %dma_start3A_131 = arith.constant 0 : i32
      %dma_start3A_132 = arith.constant 0 : i32
      %dma_start3A_133 = tpu.memref_slice %arg3[%dma_start3A_131, %dma_start3A_132] : memref<1000000x32xf32, #tpu.memory_space<hbm>> -> memref<1000000x32xf32, #tpu.memory_space<hbm>>
      tpu.enqueue_indirect_dma source(%dma_start3A_133 : memref<1000000x32xf32, #tpu.memory_space<hbm>>) target(%dma_start3A_127 : memref<40x32xf32, #tpu.memory_space<vmem>>) offsets(%dma_start3A_130 : memref<40xi32, #tpu.memory_space<vmem>>) semaphore(%arg9 : memref<!tpu.dma_semaphore, #tpu.memory_space<semaphore_mem>>)
      %dma_start3A_134 = arith.constant 2 : i32
      %dma_start3A_135 = arith.constant 2 : i32
      %dma_start3A_136 = arith.constant 0 : i32
      %dma_start3A_137 = arith.constant 0 : i32
      %dma_start3A_138 = tpu.memref_slice %arg7[%dma_start3A_135, %dma_start3A_136, %dma_start3A_137] : memref<8x200x32xf32, #tpu.memory_space<vmem>> -> memref<1x40x32xf32, #tpu.memory_space<vmem>>
      %dma_start3A_139 = tpu.memref_squeeze %dma_start3A_138 : memref<1x40x32xf32, #tpu.memory_space<vmem>> -> memref<40x32xf32, #tpu.memory_space<vmem>>
      %dma_start3A_140 = arith.constant 0 : i32
      %dma_start3A_141 = tpu.memref_slice %arg6[%dma_start3A_134, %dma_start3A_140] : memref<8x200xi32, #tpu.memory_space<vmem>> -> memref<1x40xi32, #tpu.memory_space<vmem>>
      %dma_start3A_142 = tpu.memref_squeeze %dma_start3A_141 : memref<1x40xi32, #tpu.memory_space<vmem>> -> memref<40xi32, #tpu.memory_space<vmem>>
      %dma_start3A_143 = arith.constant 0 : i32
      %dma_start3A_144 = arith.constant 0 : i32
      %dma_start3A_145 = tpu.memref_slice %arg3[%dma_start3A_143, %dma_start3A_144] : memref<1000000x32xf32, #tpu.memory_space<hbm>> -> memref<1000000x32xf32, #tpu.memory_space<hbm>>
      tpu.enqueue_indirect_dma source(%dma_start3A_145 : memref<1000000x32xf32, #tpu.memory_space<hbm>>) target(%dma_start3A_139 : memref<40x32xf32, #tpu.memory_space<vmem>>) offsets(%dma_start3A_142 : memref<40xi32, #tpu.memory_space<vmem>>) semaphore(%arg9 : memref<!tpu.dma_semaphore, #tpu.memory_space<semaphore_mem>>)
      %dma_start3A_146 = arith.constant 2 : i32
      %dma_start3A_147 = arith.constant 2 : i32
      %dma_start3A_148 = arith.constant 40 : i32
      %dma_start3A_149 = arith.constant 0 : i32
      %dma_start3A_150 = tpu.memref_slice %arg7[%dma_start3A_147, %dma_start3A_148, %dma_start3A_149] : memref<8x200x32xf32, #tpu.memory_space<vmem>> -> memref<1x40x32xf32, #tpu.memory_space<vmem>>
      %dma_start3A_151 = tpu.memref_squeeze %dma_start3A_150 : memref<1x40x32xf32, #tpu.memory_space<vmem>> -> memref<40x32xf32, #tpu.memory_space<vmem>>
      %dma_start3A_152 = arith.constant 40 : i32
      %dma_start3A_153 = tpu.memref_slice %arg6[%dma_start3A_146, %dma_start3A_152] : memref<8x200xi32, #tpu.memory_space<vmem>> -> memref<1x40xi32, #tpu.memory_space<vmem>>
      %dma_start3A_154 = tpu.memref_squeeze %dma_start3A_153 : memref<1x40xi32, #tpu.memory_space<vmem>> -> memref<40xi32, #tpu.memory_space<vmem>>
      %dma_start3A_155 = arith.constant 0 : i32
      %dma_start3A_156 = arith.constant 0 : i32
      %dma_start3A_157 = tpu.memref_slice %arg3[%dma_start3A_155, %dma_start3A_156] : memref<1000000x32xf32, #tpu.memory_space<hbm>> -> memref<1000000x32xf32, #tpu.memory_space<hbm>>
      tpu.enqueue_indirect_dma source(%dma_start3A_157 : memref<1000000x32xf32, #tpu.memory_space<hbm>>) target(%dma_start3A_151 : memref<40x32xf32, #tpu.memory_space<vmem>>) offsets(%dma_start3A_154 : memref<40xi32, #tpu.memory_space<vmem>>) semaphore(%arg9 : memref<!tpu.dma_semaphore, #tpu.memory_space<semaphore_mem>>)
      %dma_start3A_158 = arith.constant 2 : i32
      %dma_start3A_159 = arith.constant 2 : i32
      %dma_start3A_160 = arith.constant 80 : i32
      %dma_start3A_161 = arith.constant 0 : i32
      %dma_start3A_162 = tpu.memref_slice %arg7[%dma_start3A_159, %dma_start3A_160, %dma_start3A_161] : memref<8x200x32xf32, #tpu.memory_space<vmem>> -> memref<1x40x32xf32, #tpu.memory_space<vmem>>
      %dma_start3A_163 = tpu.memref_squeeze %dma_start3A_162 : memref<1x40x32xf32, #tpu.memory_space<vmem>> -> memref<40x32xf32, #tpu.memory_space<vmem>>
      %dma_start3A_164 = arith.constant 80 : i32
      %dma_start3A_165 = tpu.memref_slice %arg6[%dma_start3A_158, %dma_start3A_164] : memref<8x200xi32, #tpu.memory_space<vmem>> -> memref<1x40xi32, #tpu.memory_space<vmem>>
      %dma_start3A_166 = tpu.memref_squeeze %dma_start3A_165 : memref<1x40xi32, #tpu.memory_space<vmem>> -> memref<40xi32, #tpu.memory_space<vmem>>
      %dma_start3A_167 = arith.constant 0 : i32
      %dma_start3A_168 = arith.constant 0 : i32
      %dma_start3A_169 = tpu.memref_slice %arg3[%dma_start3A_167, %dma_start3A_168] : memref<1000000x32xf32, #tpu.memory_space<hbm>> -> memref<1000000x32xf32, #tpu.memory_space<hbm>>
      tpu.enqueue_indirect_dma source(%dma_start3A_169 : memref<1000000x32xf32, #tpu.memory_space<hbm>>) target(%dma_start3A_163 : memref<40x32xf32, #tpu.memory_space<vmem>>) offsets(%dma_start3A_166 : memref<40xi32, #tpu.memory_space<vmem>>) semaphore(%arg9 : memref<!tpu.dma_semaphore, #tpu.memory_space<semaphore_mem>>)
      %dma_start3A_170 = arith.constant 2 : i32
      %dma_start3A_171 = arith.constant 2 : i32
      %dma_start3A_172 = arith.constant 120 : i32
      %dma_start3A_173 = arith.constant 0 : i32
      %dma_start3A_174 = tpu.memref_slice %arg7[%dma_start3A_171, %dma_start3A_172, %dma_start3A_173] : memref<8x200x32xf32, #tpu.memory_space<vmem>> -> memref<1x40x32xf32, #tpu.memory_space<vmem>>
      %dma_start3A_175 = tpu.memref_squeeze %dma_start3A_174 : memref<1x40x32xf32, #tpu.memory_space<vmem>> -> memref<40x32xf32, #tpu.memory_space<vmem>>
      %dma_start3A_176 = arith.constant 120 : i32
      %dma_start3A_177 = tpu.memref_slice %arg6[%dma_start3A_170, %dma_start3A_176] : memref<8x200xi32, #tpu.memory_space<vmem>> -> memref<1x40xi32, #tpu.memory_space<vmem>>
      %dma_start3A_178 = tpu.memref_squeeze %dma_start3A_177 : memref<1x40xi32, #tpu.memory_space<vmem>> -> memref<40xi32, #tpu.memory_space<vmem>>
      %dma_start3A_179 = arith.constant 0 : i32
      %dma_start3A_180 = arith.constant 0 : i32
      %dma_start3A_181 = tpu.memref_slice %arg3[%dma_start3A_179, %dma_start3A_180] : memref<1000000x32xf32, #tpu.memory_space<hbm>> -> memref<1000000x32xf32, #tpu.memory_space<hbm>>
      tpu.enqueue_indirect_dma source(%dma_start3A_181 : memref<1000000x32xf32, #tpu.memory_space<hbm>>) target(%dma_start3A_175 : memref<40x32xf32, #tpu.memory_space<vmem>>) offsets(%dma_start3A_178 : memref<40xi32, #tpu.memory_space<vmem>>) semaphore(%arg9 : memref<!tpu.dma_semaphore, #tpu.memory_space<semaphore_mem>>)
      %dma_start3A_182 = arith.constant 2 : i32
      %dma_start3A_183 = arith.constant 2 : i32
      %dma_start3A_184 = arith.constant 160 : i32
      %dma_start3A_185 = arith.constant 0 : i32
      %dma_start3A_186 = tpu.memref_slice %arg7[%dma_start3A_183, %dma_start3A_184, %dma_start3A_185] : memref<8x200x32xf32, #tpu.memory_space<vmem>> -> memref<1x40x32xf32, #tpu.memory_space<vmem>>
      %dma_start3A_187 = tpu.memref_squeeze %dma_start3A_186 : memref<1x40x32xf32, #tpu.memory_space<vmem>> -> memref<40x32xf32, #tpu.memory_space<vmem>>
      %dma_start3A_188 = arith.constant 160 : i32
      %dma_start3A_189 = tpu.memref_slice %arg6[%dma_start3A_182, %dma_start3A_188] : memref<8x200xi32, #tpu.memory_space<vmem>> -> memref<1x40xi32, #tpu.memory_space<vmem>>
      %dma_start3A_190 = tpu.memref_squeeze %dma_start3A_189 : memref<1x40xi32, #tpu.memory_space<vmem>> -> memref<40xi32, #tpu.memory_space<vmem>>
      %dma_start3A_191 = arith.constant 0 : i32
      %dma_start3A_192 = arith.constant 0 : i32
      %dma_start3A_193 = tpu.memref_slice %arg3[%dma_start3A_191, %dma_start3A_192] : memref<1000000x32xf32, #tpu.memory_space<hbm>> -> memref<1000000x32xf32, #tpu.memory_space<hbm>>
      tpu.enqueue_indirect_dma source(%dma_start3A_193 : memref<1000000x32xf32, #tpu.memory_space<hbm>>) target(%dma_start3A_187 : memref<40x32xf32, #tpu.memory_space<vmem>>) offsets(%dma_start3A_190 : memref<40xi32, #tpu.memory_space<vmem>>) semaphore(%arg9 : memref<!tpu.dma_semaphore, #tpu.memory_space<semaphore_mem>>)
      %dma_start3A_194 = arith.constant 3 : i32
      %dma_start3A_195 = arith.constant 3 : i32
      %dma_start3A_196 = arith.constant 0 : i32
      %dma_start3A_197 = arith.constant 0 : i32
      %dma_start3A_198 = tpu.memref_slice %arg7[%dma_start3A_195, %dma_start3A_196, %dma_start3A_197] : memref<8x200x32xf32, #tpu.memory_space<vmem>> -> memref<1x40x32xf32, #tpu.memory_space<vmem>>
      %dma_start3A_199 = tpu.memref_squeeze %dma_start3A_198 : memref<1x40x32xf32, #tpu.memory_space<vmem>> -> memref<40x32xf32, #tpu.memory_space<vmem>>
      %dma_start3A_200 = arith.constant 0 : i32
      %dma_start3A_201 = tpu.memref_slice %arg6[%dma_start3A_194, %dma_start3A_200] : memref<8x200xi32, #tpu.memory_space<vmem>> -> memref<1x40xi32, #tpu.memory_space<vmem>>
      %dma_start3A_202 = tpu.memref_squeeze %dma_start3A_201 : memref<1x40xi32, #tpu.memory_space<vmem>> -> memref<40xi32, #tpu.memory_space<vmem>>
      %dma_start3A_203 = arith.constant 0 : i32
      %dma_start3A_204 = arith.constant 0 : i32
      %dma_start3A_205 = tpu.memref_slice %arg3[%dma_start3A_203, %dma_start3A_204] : memref<1000000x32xf32, #tpu.memory_space<hbm>> -> memref<1000000x32xf32, #tpu.memory_space<hbm>>
      tpu.enqueue_indirect_dma source(%dma_start3A_205 : memref<1000000x32xf32, #tpu.memory_space<hbm>>) target(%dma_start3A_199 : memref<40x32xf32, #tpu.memory_space<vmem>>) offsets(%dma_start3A_202 : memref<40xi32, #tpu.memory_space<vmem>>) semaphore(%arg9 : memref<!tpu.dma_semaphore, #tpu.memory_space<semaphore_mem>>)
      %dma_start3A_206 = arith.constant 3 : i32
      %dma_start3A_207 = arith.constant 3 : i32
      %dma_start3A_208 = arith.constant 40 : i32
      %dma_start3A_209 = arith.constant 0 : i32
      %dma_start3A_210 = tpu.memref_slice %arg7[%dma_start3A_207, %dma_start3A_208, %dma_start3A_209] : memref<8x200x32xf32, #tpu.memory_space<vmem>> -> memref<1x40x32xf32, #tpu.memory_space<vmem>>
      %dma_start3A_211 = tpu.memref_squeeze %dma_start3A_210 : memref<1x40x32xf32, #tpu.memory_space<vmem>> -> memref<40x32xf32, #tpu.memory_space<vmem>>
      %dma_start3A_212 = arith.constant 40 : i32
      %dma_start3A_213 = tpu.memref_slice %arg6[%dma_start3A_206, %dma_start3A_212] : memref<8x200xi32, #tpu.memory_space<vmem>> -> memref<1x40xi32, #tpu.memory_space<vmem>>
      %dma_start3A_214 = tpu.memref_squeeze %dma_start3A_213 : memref<1x40xi32, #tpu.memory_space<vmem>> -> memref<40xi32, #tpu.memory_space<vmem>>
      %dma_start3A_215 = arith.constant 0 : i32
      %dma_start3A_216 = arith.constant 0 : i32
      %dma_start3A_217 = tpu.memref_slice %arg3[%dma_start3A_215, %dma_start3A_216] : memref<1000000x32xf32, #tpu.memory_space<hbm>> -> memref<1000000x32xf32, #tpu.memory_space<hbm>>
      tpu.enqueue_indirect_dma source(%dma_start3A_217 : memref<1000000x32xf32, #tpu.memory_space<hbm>>) target(%dma_start3A_211 : memref<40x32xf32, #tpu.memory_space<vmem>>) offsets(%dma_start3A_214 : memref<40xi32, #tpu.memory_space<vmem>>) semaphore(%arg9 : memref<!tpu.dma_semaphore, #tpu.memory_space<semaphore_mem>>)
      %dma_start3A_218 = arith.constant 3 : i32
      %dma_start3A_219 = arith.constant 3 : i32
      %dma_start3A_220 = arith.constant 80 : i32
      %dma_start3A_221 = arith.constant 0 : i32
      %dma_start3A_222 = tpu.memref_slice %arg7[%dma_start3A_219, %dma_start3A_220, %dma_start3A_221] : memref<8x200x32xf32, #tpu.memory_space<vmem>> -> memref<1x40x32xf32, #tpu.memory_space<vmem>>
      %dma_start3A_223 = tpu.memref_squeeze %dma_start3A_222 : memref<1x40x32xf32, #tpu.memory_space<vmem>> -> memref<40x32xf32, #tpu.memory_space<vmem>>
      %dma_start3A_224 = arith.constant 80 : i32
      %dma_start3A_225 = tpu.memref_slice %arg6[%dma_start3A_218, %dma_start3A_224] : memref<8x200xi32, #tpu.memory_space<vmem>> -> memref<1x40xi32, #tpu.memory_space<vmem>>
      %dma_start3A_226 = tpu.memref_squeeze %dma_start3A_225 : memref<1x40xi32, #tpu.memory_space<vmem>> -> memref<40xi32, #tpu.memory_space<vmem>>
      %dma_start3A_227 = arith.constant 0 : i32
      %dma_start3A_228 = arith.constant 0 : i32
      %dma_start3A_229 = tpu.memref_slice %arg3[%dma_start3A_227, %dma_start3A_228] : memref<1000000x32xf32, #tpu.memory_space<hbm>> -> memref<1000000x32xf32, #tpu.memory_space<hbm>>
      tpu.enqueue_indirect_dma source(%dma_start3A_229 : memref<1000000x32xf32, #tpu.memory_space<hbm>>) target(%dma_start3A_223 : memref<40x32xf32, #tpu.memory_space<vmem>>) offsets(%dma_start3A_226 : memref<40xi32, #tpu.memory_space<vmem>>) semaphore(%arg9 : memref<!tpu.dma_semaphore, #tpu.memory_space<semaphore_mem>>)
      %dma_start3A_230 = arith.constant 3 : i32
      %dma_start3A_231 = arith.constant 3 : i32
      %dma_start3A_232 = arith.constant 120 : i32
      %dma_start3A_233 = arith.constant 0 : i32
      %dma_start3A_234 = tpu.memref_slice %arg7[%dma_start3A_231, %dma_start3A_232, %dma_start3A_233] : memref<8x200x32xf32, #tpu.memory_space<vmem>> -> memref<1x40x32xf32, #tpu.memory_space<vmem>>
      %dma_start3A_235 = tpu.memref_squeeze %dma_start3A_234 : memref<1x40x32xf32, #tpu.memory_space<vmem>> -> memref<40x32xf32, #tpu.memory_space<vmem>>
      %dma_start3A_236 = arith.constant 120 : i32
      %dma_start3A_237 = tpu.memref_slice %arg6[%dma_start3A_230, %dma_start3A_236] : memref<8x200xi32, #tpu.memory_space<vmem>> -> memref<1x40xi32, #tpu.memory_space<vmem>>
      %dma_start3A_238 = tpu.memref_squeeze %dma_start3A_237 : memref<1x40xi32, #tpu.memory_space<vmem>> -> memref<40xi32, #tpu.memory_space<vmem>>
      %dma_start3A_239 = arith.constant 0 : i32
      %dma_start3A_240 = arith.constant 0 : i32
      %dma_start3A_241 = tpu.memref_slice %arg3[%dma_start3A_239, %dma_start3A_240] : memref<1000000x32xf32, #tpu.memory_space<hbm>> -> memref<1000000x32xf32, #tpu.memory_space<hbm>>
      tpu.enqueue_indirect_dma source(%dma_start3A_241 : memref<1000000x32xf32, #tpu.memory_space<hbm>>) target(%dma_start3A_235 : memref<40x32xf32, #tpu.memory_space<vmem>>) offsets(%dma_start3A_238 : memref<40xi32, #tpu.memory_space<vmem>>) semaphore(%arg9 : memref<!tpu.dma_semaphore, #tpu.memory_space<semaphore_mem>>)
      %dma_start3A_242 = arith.constant 3 : i32
      %dma_start3A_243 = arith.constant 3 : i32
      %dma_start3A_244 = arith.constant 160 : i32
      %dma_start3A_245 = arith.constant 0 : i32
      %dma_start3A_246 = tpu.memref_slice %arg7[%dma_start3A_243, %dma_start3A_244, %dma_start3A_245] : memref<8x200x32xf32, #tpu.memory_space<vmem>> -> memref<1x40x32xf32, #tpu.memory_space<vmem>>
      %dma_start3A_247 = tpu.memref_squeeze %dma_start3A_246 : memref<1x40x32xf32, #tpu.memory_space<vmem>> -> memref<40x32xf32, #tpu.memory_space<vmem>>
      %dma_start3A_248 = arith.constant 160 : i32
      %dma_start3A_249 = tpu.memref_slice %arg6[%dma_start3A_242, %dma_start3A_248] : memref<8x200xi32, #tpu.memory_space<vmem>> -> memref<1x40xi32, #tpu.memory_space<vmem>>
      %dma_start3A_250 = tpu.memref_squeeze %dma_start3A_249 : memref<1x40xi32, #tpu.memory_space<vmem>> -> memref<40xi32, #tpu.memory_space<vmem>>
      %dma_start3A_251 = arith.constant 0 : i32
      %dma_start3A_252 = arith.constant 0 : i32
      %dma_start3A_253 = tpu.memref_slice %arg3[%dma_start3A_251, %dma_start3A_252] : memref<1000000x32xf32, #tpu.memory_space<hbm>> -> memref<1000000x32xf32, #tpu.memory_space<hbm>>
      tpu.enqueue_indirect_dma source(%dma_start3A_253 : memref<1000000x32xf32, #tpu.memory_space<hbm>>) target(%dma_start3A_247 : memref<40x32xf32, #tpu.memory_space<vmem>>) offsets(%dma_start3A_250 : memref<40xi32, #tpu.memory_space<vmem>>) semaphore(%arg9 : memref<!tpu.dma_semaphore, #tpu.memory_space<semaphore_mem>>)
      %dma_start3A_254 = arith.constant 4 : i32
      %dma_start3A_255 = arith.constant 4 : i32
      %dma_start3A_256 = arith.constant 0 : i32
      %dma_start3A_257 = arith.constant 0 : i32
      %dma_start3A_258 = tpu.memref_slice %arg7[%dma_start3A_255, %dma_start3A_256, %dma_start3A_257] : memref<8x200x32xf32, #tpu.memory_space<vmem>> -> memref<1x40x32xf32, #tpu.memory_space<vmem>>
      %dma_start3A_259 = tpu.memref_squeeze %dma_start3A_258 : memref<1x40x32xf32, #tpu.memory_space<vmem>> -> memref<40x32xf32, #tpu.memory_space<vmem>>
      %dma_start3A_260 = arith.constant 0 : i32
      %dma_start3A_261 = tpu.memref_slice %arg6[%dma_start3A_254, %dma_start3A_260] : memref<8x200xi32, #tpu.memory_space<vmem>> -> memref<1x40xi32, #tpu.memory_space<vmem>>
      %dma_start3A_262 = tpu.memref_squeeze %dma_start3A_261 : memref<1x40xi32, #tpu.memory_space<vmem>> -> memref<40xi32, #tpu.memory_space<vmem>>
      %dma_start3A_263 = arith.constant 0 : i32
      %dma_start3A_264 = arith.constant 0 : i32
      %dma_start3A_265 = tpu.memref_slice %arg3[%dma_start3A_263, %dma_start3A_264] : memref<1000000x32xf32, #tpu.memory_space<hbm>> -> memref<1000000x32xf32, #tpu.memory_space<hbm>>
      tpu.enqueue_indirect_dma source(%dma_start3A_265 : memref<1000000x32xf32, #tpu.memory_space<hbm>>) target(%dma_start3A_259 : memref<40x32xf32, #tpu.memory_space<vmem>>) offsets(%dma_start3A_262 : memref<40xi32, #tpu.memory_space<vmem>>) semaphore(%arg9 : memref<!tpu.dma_semaphore, #tpu.memory_space<semaphore_mem>>)
      %dma_start3A_266 = arith.constant 4 : i32
      %dma_start3A_267 = arith.constant 4 : i32
      %dma_start3A_268 = arith.constant 40 : i32
      %dma_start3A_269 = arith.constant 0 : i32
      %dma_start3A_270 = tpu.memref_slice %arg7[%dma_start3A_267, %dma_start3A_268, %dma_start3A_269] : memref<8x200x32xf32, #tpu.memory_space<vmem>> -> memref<1x40x32xf32, #tpu.memory_space<vmem>>
      %dma_start3A_271 = tpu.memref_squeeze %dma_start3A_270 : memref<1x40x32xf32, #tpu.memory_space<vmem>> -> memref<40x32xf32, #tpu.memory_space<vmem>>
      %dma_start3A_272 = arith.constant 40 : i32
      %dma_start3A_273 = tpu.memref_slice %arg6[%dma_start3A_266, %dma_start3A_272] : memref<8x200xi32, #tpu.memory_space<vmem>> -> memref<1x40xi32, #tpu.memory_space<vmem>>
      %dma_start3A_274 = tpu.memref_squeeze %dma_start3A_273 : memref<1x40xi32, #tpu.memory_space<vmem>> -> memref<40xi32, #tpu.memory_space<vmem>>
      %dma_start3A_275 = arith.constant 0 : i32
      %dma_start3A_276 = arith.constant 0 : i32
      %dma_start3A_277 = tpu.memref_slice %arg3[%dma_start3A_275, %dma_start3A_276] : memref<1000000x32xf32, #tpu.memory_space<hbm>> -> memref<1000000x32xf32, #tpu.memory_space<hbm>>
      tpu.enqueue_indirect_dma source(%dma_start3A_277 : memref<1000000x32xf32, #tpu.memory_space<hbm>>) target(%dma_start3A_271 : memref<40x32xf32, #tpu.memory_space<vmem>>) offsets(%dma_start3A_274 : memref<40xi32, #tpu.memory_space<vmem>>) semaphore(%arg9 : memref<!tpu.dma_semaphore, #tpu.memory_space<semaphore_mem>>)
      %dma_start3A_278 = arith.constant 4 : i32
      %dma_start3A_279 = arith.constant 4 : i32
      %dma_start3A_280 = arith.constant 80 : i32
      %dma_start3A_281 = arith.constant 0 : i32
      %dma_start3A_282 = tpu.memref_slice %arg7[%dma_start3A_279, %dma_start3A_280, %dma_start3A_281] : memref<8x200x32xf32, #tpu.memory_space<vmem>> -> memref<1x40x32xf32, #tpu.memory_space<vmem>>
      %dma_start3A_283 = tpu.memref_squeeze %dma_start3A_282 : memref<1x40x32xf32, #tpu.memory_space<vmem>> -> memref<40x32xf32, #tpu.memory_space<vmem>>
      %dma_start3A_284 = arith.constant 80 : i32
      %dma_start3A_285 = tpu.memref_slice %arg6[%dma_start3A_278, %dma_start3A_284] : memref<8x200xi32, #tpu.memory_space<vmem>> -> memref<1x40xi32, #tpu.memory_space<vmem>>
      %dma_start3A_286 = tpu.memref_squeeze %dma_start3A_285 : memref<1x40xi32, #tpu.memory_space<vmem>> -> memref<40xi32, #tpu.memory_space<vmem>>
      %dma_start3A_287 = arith.constant 0 : i32
      %dma_start3A_288 = arith.constant 0 : i32
      %dma_start3A_289 = tpu.memref_slice %arg3[%dma_start3A_287, %dma_start3A_288] : memref<1000000x32xf32, #tpu.memory_space<hbm>> -> memref<1000000x32xf32, #tpu.memory_space<hbm>>
      tpu.enqueue_indirect_dma source(%dma_start3A_289 : memref<1000000x32xf32, #tpu.memory_space<hbm>>) target(%dma_start3A_283 : memref<40x32xf32, #tpu.memory_space<vmem>>) offsets(%dma_start3A_286 : memref<40xi32, #tpu.memory_space<vmem>>) semaphore(%arg9 : memref<!tpu.dma_semaphore, #tpu.memory_space<semaphore_mem>>)
      %dma_start3A_290 = arith.constant 4 : i32
      %dma_start3A_291 = arith.constant 4 : i32
      %dma_start3A_292 = arith.constant 120 : i32
      %dma_start3A_293 = arith.constant 0 : i32
      %dma_start3A_294 = tpu.memref_slice %arg7[%dma_start3A_291, %dma_start3A_292, %dma_start3A_293] : memref<8x200x32xf32, #tpu.memory_space<vmem>> -> memref<1x40x32xf32, #tpu.memory_space<vmem>>
      %dma_start3A_295 = tpu.memref_squeeze %dma_start3A_294 : memref<1x40x32xf32, #tpu.memory_space<vmem>> -> memref<40x32xf32, #tpu.memory_space<vmem>>
      %dma_start3A_296 = arith.constant 120 : i32
      %dma_start3A_297 = tpu.memref_slice %arg6[%dma_start3A_290, %dma_start3A_296] : memref<8x200xi32, #tpu.memory_space<vmem>> -> memref<1x40xi32, #tpu.memory_space<vmem>>
      %dma_start3A_298 = tpu.memref_squeeze %dma_start3A_297 : memref<1x40xi32, #tpu.memory_space<vmem>> -> memref<40xi32, #tpu.memory_space<vmem>>
      %dma_start3A_299 = arith.constant 0 : i32
      %dma_start3A_300 = arith.constant 0 : i32
      %dma_start3A_301 = tpu.memref_slice %arg3[%dma_start3A_299, %dma_start3A_300] : memref<1000000x32xf32, #tpu.memory_space<hbm>> -> memref<1000000x32xf32, #tpu.memory_space<hbm>>
      tpu.enqueue_indirect_dma source(%dma_start3A_301 : memref<1000000x32xf32, #tpu.memory_space<hbm>>) target(%dma_start3A_295 : memref<40x32xf32, #tpu.memory_space<vmem>>) offsets(%dma_start3A_298 : memref<40xi32, #tpu.memory_space<vmem>>) semaphore(%arg9 : memref<!tpu.dma_semaphore, #tpu.memory_space<semaphore_mem>>)
      %dma_start3A_302 = arith.constant 4 : i32
      %dma_start3A_303 = arith.constant 4 : i32
      %dma_start3A_304 = arith.constant 160 : i32
      %dma_start3A_305 = arith.constant 0 : i32
      %dma_start3A_306 = tpu.memref_slice %arg7[%dma_start3A_303, %dma_start3A_304, %dma_start3A_305] : memref<8x200x32xf32, #tpu.memory_space<vmem>> -> memref<1x40x32xf32, #tpu.memory_space<vmem>>
      %dma_start3A_307 = tpu.memref_squeeze %dma_start3A_306 : memref<1x40x32xf32, #tpu.memory_space<vmem>> -> memref<40x32xf32, #tpu.memory_space<vmem>>
      %dma_start3A_308 = arith.constant 160 : i32
      %dma_start3A_309 = tpu.memref_slice %arg6[%dma_start3A_302, %dma_start3A_308] : memref<8x200xi32, #tpu.memory_space<vmem>> -> memref<1x40xi32, #tpu.memory_space<vmem>>
      %dma_start3A_310 = tpu.memref_squeeze %dma_start3A_309 : memref<1x40xi32, #tpu.memory_space<vmem>> -> memref<40xi32, #tpu.memory_space<vmem>>
      %dma_start3A_311 = arith.constant 0 : i32
      %dma_start3A_312 = arith.constant 0 : i32
      %dma_start3A_313 = tpu.memref_slice %arg3[%dma_start3A_311, %dma_start3A_312] : memref<1000000x32xf32, #tpu.memory_space<hbm>> -> memref<1000000x32xf32, #tpu.memory_space<hbm>>
      tpu.enqueue_indirect_dma source(%dma_start3A_313 : memref<1000000x32xf32, #tpu.memory_space<hbm>>) target(%dma_start3A_307 : memref<40x32xf32, #tpu.memory_space<vmem>>) offsets(%dma_start3A_310 : memref<40xi32, #tpu.memory_space<vmem>>) semaphore(%arg9 : memref<!tpu.dma_semaphore, #tpu.memory_space<semaphore_mem>>)
      %dma_start3A_314 = arith.constant 5 : i32
      %dma_start3A_315 = arith.constant 5 : i32
      %dma_start3A_316 = arith.constant 0 : i32
      %dma_start3A_317 = arith.constant 0 : i32
      %dma_start3A_318 = tpu.memref_slice %arg7[%dma_start3A_315, %dma_start3A_316, %dma_start3A_317] : memref<8x200x32xf32, #tpu.memory_space<vmem>> -> memref<1x40x32xf32, #tpu.memory_space<vmem>>
      %dma_start3A_319 = tpu.memref_squeeze %dma_start3A_318 : memref<1x40x32xf32, #tpu.memory_space<vmem>> -> memref<40x32xf32, #tpu.memory_space<vmem>>
      %dma_start3A_320 = arith.constant 0 : i32
      %dma_start3A_321 = tpu.memref_slice %arg6[%dma_start3A_314, %dma_start3A_320] : memref<8x200xi32, #tpu.memory_space<vmem>> -> memref<1x40xi32, #tpu.memory_space<vmem>>
      %dma_start3A_322 = tpu.memref_squeeze %dma_start3A_321 : memref<1x40xi32, #tpu.memory_space<vmem>> -> memref<40xi32, #tpu.memory_space<vmem>>
      %dma_start3A_323 = arith.constant 0 : i32
      %dma_start3A_324 = arith.constant 0 : i32
      %dma_start3A_325 = tpu.memref_slice %arg3[%dma_start3A_323, %dma_start3A_324] : memref<1000000x32xf32, #tpu.memory_space<hbm>> -> memref<1000000x32xf32, #tpu.memory_space<hbm>>
      tpu.enqueue_indirect_dma source(%dma_start3A_325 : memref<1000000x32xf32, #tpu.memory_space<hbm>>) target(%dma_start3A_319 : memref<40x32xf32, #tpu.memory_space<vmem>>) offsets(%dma_start3A_322 : memref<40xi32, #tpu.memory_space<vmem>>) semaphore(%arg9 : memref<!tpu.dma_semaphore, #tpu.memory_space<semaphore_mem>>)
      %dma_start3A_326 = arith.constant 5 : i32
      %dma_start3A_327 = arith.constant 5 : i32
      %dma_start3A_328 = arith.constant 40 : i32
      %dma_start3A_329 = arith.constant 0 : i32
      %dma_start3A_330 = tpu.memref_slice %arg7[%dma_start3A_327, %dma_start3A_328, %dma_start3A_329] : memref<8x200x32xf32, #tpu.memory_space<vmem>> -> memref<1x40x32xf32, #tpu.memory_space<vmem>>
      %dma_start3A_331 = tpu.memref_squeeze %dma_start3A_330 : memref<1x40x32xf32, #tpu.memory_space<vmem>> -> memref<40x32xf32, #tpu.memory_space<vmem>>
      %dma_start3A_332 = arith.constant 40 : i32
      %dma_start3A_333 = tpu.memref_slice %arg6[%dma_start3A_326, %dma_start3A_332] : memref<8x200xi32, #tpu.memory_space<vmem>> -> memref<1x40xi32, #tpu.memory_space<vmem>>
      %dma_start3A_334 = tpu.memref_squeeze %dma_start3A_333 : memref<1x40xi32, #tpu.memory_space<vmem>> -> memref<40xi32, #tpu.memory_space<vmem>>
      %dma_start3A_335 = arith.constant 0 : i32
      %dma_start3A_336 = arith.constant 0 : i32
      %dma_start3A_337 = tpu.memref_slice %arg3[%dma_start3A_335, %dma_start3A_336] : memref<1000000x32xf32, #tpu.memory_space<hbm>> -> memref<1000000x32xf32, #tpu.memory_space<hbm>>
      tpu.enqueue_indirect_dma source(%dma_start3A_337 : memref<1000000x32xf32, #tpu.memory_space<hbm>>) target(%dma_start3A_331 : memref<40x32xf32, #tpu.memory_space<vmem>>) offsets(%dma_start3A_334 : memref<40xi32, #tpu.memory_space<vmem>>) semaphore(%arg9 : memref<!tpu.dma_semaphore, #tpu.memory_space<semaphore_mem>>)
      %dma_start3A_338 = arith.constant 5 : i32
      %dma_start3A_339 = arith.constant 5 : i32
      %dma_start3A_340 = arith.constant 80 : i32
      %dma_start3A_341 = arith.constant 0 : i32
      %dma_start3A_342 = tpu.memref_slice %arg7[%dma_start3A_339, %dma_start3A_340, %dma_start3A_341] : memref<8x200x32xf32, #tpu.memory_space<vmem>> -> memref<1x40x32xf32, #tpu.memory_space<vmem>>
      %dma_start3A_343 = tpu.memref_squeeze %dma_start3A_342 : memref<1x40x32xf32, #tpu.memory_space<vmem>> -> memref<40x32xf32, #tpu.memory_space<vmem>>
      %dma_start3A_344 = arith.constant 80 : i32
      %dma_start3A_345 = tpu.memref_slice %arg6[%dma_start3A_338, %dma_start3A_344] : memref<8x200xi32, #tpu.memory_space<vmem>> -> memref<1x40xi32, #tpu.memory_space<vmem>>
      %dma_start3A_346 = tpu.memref_squeeze %dma_start3A_345 : memref<1x40xi32, #tpu.memory_space<vmem>> -> memref<40xi32, #tpu.memory_space<vmem>>
      %dma_start3A_347 = arith.constant 0 : i32
      %dma_start3A_348 = arith.constant 0 : i32
      %dma_start3A_349 = tpu.memref_slice %arg3[%dma_start3A_347, %dma_start3A_348] : memref<1000000x32xf32, #tpu.memory_space<hbm>> -> memref<1000000x32xf32, #tpu.memory_space<hbm>>
      tpu.enqueue_indirect_dma source(%dma_start3A_349 : memref<1000000x32xf32, #tpu.memory_space<hbm>>) target(%dma_start3A_343 : memref<40x32xf32, #tpu.memory_space<vmem>>) offsets(%dma_start3A_346 : memref<40xi32, #tpu.memory_space<vmem>>) semaphore(%arg9 : memref<!tpu.dma_semaphore, #tpu.memory_space<semaphore_mem>>)
      %dma_start3A_350 = arith.constant 5 : i32
      %dma_start3A_351 = arith.constant 5 : i32
      %dma_start3A_352 = arith.constant 120 : i32
      %dma_start3A_353 = arith.constant 0 : i32
      %dma_start3A_354 = tpu.memref_slice %arg7[%dma_start3A_351, %dma_start3A_352, %dma_start3A_353] : memref<8x200x32xf32, #tpu.memory_space<vmem>> -> memref<1x40x32xf32, #tpu.memory_space<vmem>>
      %dma_start3A_355 = tpu.memref_squeeze %dma_start3A_354 : memref<1x40x32xf32, #tpu.memory_space<vmem>> -> memref<40x32xf32, #tpu.memory_space<vmem>>
      %dma_start3A_356 = arith.constant 120 : i32
      %dma_start3A_357 = tpu.memref_slice %arg6[%dma_start3A_350, %dma_start3A_356] : memref<8x200xi32, #tpu.memory_space<vmem>> -> memref<1x40xi32, #tpu.memory_space<vmem>>
      %dma_start3A_358 = tpu.memref_squeeze %dma_start3A_357 : memref<1x40xi32, #tpu.memory_space<vmem>> -> memref<40xi32, #tpu.memory_space<vmem>>
      %dma_start3A_359 = arith.constant 0 : i32
      %dma_start3A_360 = arith.constant 0 : i32
      %dma_start3A_361 = tpu.memref_slice %arg3[%dma_start3A_359, %dma_start3A_360] : memref<1000000x32xf32, #tpu.memory_space<hbm>> -> memref<1000000x32xf32, #tpu.memory_space<hbm>>
      tpu.enqueue_indirect_dma source(%dma_start3A_361 : memref<1000000x32xf32, #tpu.memory_space<hbm>>) target(%dma_start3A_355 : memref<40x32xf32, #tpu.memory_space<vmem>>) offsets(%dma_start3A_358 : memref<40xi32, #tpu.memory_space<vmem>>) semaphore(%arg9 : memref<!tpu.dma_semaphore, #tpu.memory_space<semaphore_mem>>)
      %dma_start3A_362 = arith.constant 5 : i32
      %dma_start3A_363 = arith.constant 5 : i32
      %dma_start3A_364 = arith.constant 160 : i32
      %dma_start3A_365 = arith.constant 0 : i32
      %dma_start3A_366 = tpu.memref_slice %arg7[%dma_start3A_363, %dma_start3A_364, %dma_start3A_365] : memref<8x200x32xf32, #tpu.memory_space<vmem>> -> memref<1x40x32xf32, #tpu.memory_space<vmem>>
      %dma_start3A_367 = tpu.memref_squeeze %dma_start3A_366 : memref<1x40x32xf32, #tpu.memory_space<vmem>> -> memref<40x32xf32, #tpu.memory_space<vmem>>
      %dma_start3A_368 = arith.constant 160 : i32
      %dma_start3A_369 = tpu.memref_slice %arg6[%dma_start3A_362, %dma_start3A_368] : memref<8x200xi32, #tpu.memory_space<vmem>> -> memref<1x40xi32, #tpu.memory_space<vmem>>
      %dma_start3A_370 = tpu.memref_squeeze %dma_start3A_369 : memref<1x40xi32, #tpu.memory_space<vmem>> -> memref<40xi32, #tpu.memory_space<vmem>>
      %dma_start3A_371 = arith.constant 0 : i32
      %dma_start3A_372 = arith.constant 0 : i32
      %dma_start3A_373 = tpu.memref_slice %arg3[%dma_start3A_371, %dma_start3A_372] : memref<1000000x32xf32, #tpu.memory_space<hbm>> -> memref<1000000x32xf32, #tpu.memory_space<hbm>>
      tpu.enqueue_indirect_dma source(%dma_start3A_373 : memref<1000000x32xf32, #tpu.memory_space<hbm>>) target(%dma_start3A_367 : memref<40x32xf32, #tpu.memory_space<vmem>>) offsets(%dma_start3A_370 : memref<40xi32, #tpu.memory_space<vmem>>) semaphore(%arg9 : memref<!tpu.dma_semaphore, #tpu.memory_space<semaphore_mem>>)
      %dma_start3A_374 = arith.constant 6 : i32
      %dma_start3A_375 = arith.constant 6 : i32
      %dma_start3A_376 = arith.constant 0 : i32
      %dma_start3A_377 = arith.constant 0 : i32
      %dma_start3A_378 = tpu.memref_slice %arg7[%dma_start3A_375, %dma_start3A_376, %dma_start3A_377] : memref<8x200x32xf32, #tpu.memory_space<vmem>> -> memref<1x40x32xf32, #tpu.memory_space<vmem>>
      %dma_start3A_379 = tpu.memref_squeeze %dma_start3A_378 : memref<1x40x32xf32, #tpu.memory_space<vmem>> -> memref<40x32xf32, #tpu.memory_space<vmem>>
      %dma_start3A_380 = arith.constant 0 : i32
      %dma_start3A_381 = tpu.memref_slice %arg6[%dma_start3A_374, %dma_start3A_380] : memref<8x200xi32, #tpu.memory_space<vmem>> -> memref<1x40xi32, #tpu.memory_space<vmem>>
      %dma_start3A_382 = tpu.memref_squeeze %dma_start3A_381 : memref<1x40xi32, #tpu.memory_space<vmem>> -> memref<40xi32, #tpu.memory_space<vmem>>
      %dma_start3A_383 = arith.constant 0 : i32
      %dma_start3A_384 = arith.constant 0 : i32
      %dma_start3A_385 = tpu.memref_slice %arg3[%dma_start3A_383, %dma_start3A_384] : memref<1000000x32xf32, #tpu.memory_space<hbm>> -> memref<1000000x32xf32, #tpu.memory_space<hbm>>
      tpu.enqueue_indirect_dma source(%dma_start3A_385 : memref<1000000x32xf32, #tpu.memory_space<hbm>>) target(%dma_start3A_379 : memref<40x32xf32, #tpu.memory_space<vmem>>) offsets(%dma_start3A_382 : memref<40xi32, #tpu.memory_space<vmem>>) semaphore(%arg9 : memref<!tpu.dma_semaphore, #tpu.memory_space<semaphore_mem>>)
      %dma_start3A_386 = arith.constant 6 : i32
      %dma_start3A_387 = arith.constant 6 : i32
      %dma_start3A_388 = arith.constant 40 : i32
      %dma_start3A_389 = arith.constant 0 : i32
      %dma_start3A_390 = tpu.memref_slice %arg7[%dma_start3A_387, %dma_start3A_388, %dma_start3A_389] : memref<8x200x32xf32, #tpu.memory_space<vmem>> -> memref<1x40x32xf32, #tpu.memory_space<vmem>>
      %dma_start3A_391 = tpu.memref_squeeze %dma_start3A_390 : memref<1x40x32xf32, #tpu.memory_space<vmem>> -> memref<40x32xf32, #tpu.memory_space<vmem>>
      %dma_start3A_392 = arith.constant 40 : i32
      %dma_start3A_393 = tpu.memref_slice %arg6[%dma_start3A_386, %dma_start3A_392] : memref<8x200xi32, #tpu.memory_space<vmem>> -> memref<1x40xi32, #tpu.memory_space<vmem>>
      %dma_start3A_394 = tpu.memref_squeeze %dma_start3A_393 : memref<1x40xi32, #tpu.memory_space<vmem>> -> memref<40xi32, #tpu.memory_space<vmem>>
      %dma_start3A_395 = arith.constant 0 : i32
      %dma_start3A_396 = arith.constant 0 : i32
      %dma_start3A_397 = tpu.memref_slice %arg3[%dma_start3A_395, %dma_start3A_396] : memref<1000000x32xf32, #tpu.memory_space<hbm>> -> memref<1000000x32xf32, #tpu.memory_space<hbm>>
      tpu.enqueue_indirect_dma source(%dma_start3A_397 : memref<1000000x32xf32, #tpu.memory_space<hbm>>) target(%dma_start3A_391 : memref<40x32xf32, #tpu.memory_space<vmem>>) offsets(%dma_start3A_394 : memref<40xi32, #tpu.memory_space<vmem>>) semaphore(%arg9 : memref<!tpu.dma_semaphore, #tpu.memory_space<semaphore_mem>>)
      %dma_start3A_398 = arith.constant 6 : i32
      %dma_start3A_399 = arith.constant 6 : i32
      %dma_start3A_400 = arith.constant 80 : i32
      %dma_start3A_401 = arith.constant 0 : i32
      %dma_start3A_402 = tpu.memref_slice %arg7[%dma_start3A_399, %dma_start3A_400, %dma_start3A_401] : memref<8x200x32xf32, #tpu.memory_space<vmem>> -> memref<1x40x32xf32, #tpu.memory_space<vmem>>
      %dma_start3A_403 = tpu.memref_squeeze %dma_start3A_402 : memref<1x40x32xf32, #tpu.memory_space<vmem>> -> memref<40x32xf32, #tpu.memory_space<vmem>>
      %dma_start3A_404 = arith.constant 80 : i32
      %dma_start3A_405 = tpu.memref_slice %arg6[%dma_start3A_398, %dma_start3A_404] : memref<8x200xi32, #tpu.memory_space<vmem>> -> memref<1x40xi32, #tpu.memory_space<vmem>>
      %dma_start3A_406 = tpu.memref_squeeze %dma_start3A_405 : memref<1x40xi32, #tpu.memory_space<vmem>> -> memref<40xi32, #tpu.memory_space<vmem>>
      %dma_start3A_407 = arith.constant 0 : i32
      %dma_start3A_408 = arith.constant 0 : i32
      %dma_start3A_409 = tpu.memref_slice %arg3[%dma_start3A_407, %dma_start3A_408] : memref<1000000x32xf32, #tpu.memory_space<hbm>> -> memref<1000000x32xf32, #tpu.memory_space<hbm>>
      tpu.enqueue_indirect_dma source(%dma_start3A_409 : memref<1000000x32xf32, #tpu.memory_space<hbm>>) target(%dma_start3A_403 : memref<40x32xf32, #tpu.memory_space<vmem>>) offsets(%dma_start3A_406 : memref<40xi32, #tpu.memory_space<vmem>>) semaphore(%arg9 : memref<!tpu.dma_semaphore, #tpu.memory_space<semaphore_mem>>)
      %dma_start3A_410 = arith.constant 6 : i32
      %dma_start3A_411 = arith.constant 6 : i32
      %dma_start3A_412 = arith.constant 120 : i32
      %dma_start3A_413 = arith.constant 0 : i32
      %dma_start3A_414 = tpu.memref_slice %arg7[%dma_start3A_411, %dma_start3A_412, %dma_start3A_413] : memref<8x200x32xf32, #tpu.memory_space<vmem>> -> memref<1x40x32xf32, #tpu.memory_space<vmem>>
      %dma_start3A_415 = tpu.memref_squeeze %dma_start3A_414 : memref<1x40x32xf32, #tpu.memory_space<vmem>> -> memref<40x32xf32, #tpu.memory_space<vmem>>
      %dma_start3A_416 = arith.constant 120 : i32
      %dma_start3A_417 = tpu.memref_slice %arg6[%dma_start3A_410, %dma_start3A_416] : memref<8x200xi32, #tpu.memory_space<vmem>> -> memref<1x40xi32, #tpu.memory_space<vmem>>
      %dma_start3A_418 = tpu.memref_squeeze %dma_start3A_417 : memref<1x40xi32, #tpu.memory_space<vmem>> -> memref<40xi32, #tpu.memory_space<vmem>>
      %dma_start3A_419 = arith.constant 0 : i32
      %dma_start3A_420 = arith.constant 0 : i32
      %dma_start3A_421 = tpu.memref_slice %arg3[%dma_start3A_419, %dma_start3A_420] : memref<1000000x32xf32, #tpu.memory_space<hbm>> -> memref<1000000x32xf32, #tpu.memory_space<hbm>>
      tpu.enqueue_indirect_dma source(%dma_start3A_421 : memref<1000000x32xf32, #tpu.memory_space<hbm>>) target(%dma_start3A_415 : memref<40x32xf32, #tpu.memory_space<vmem>>) offsets(%dma_start3A_418 : memref<40xi32, #tpu.memory_space<vmem>>) semaphore(%arg9 : memref<!tpu.dma_semaphore, #tpu.memory_space<semaphore_mem>>)
      %dma_start3A_422 = arith.constant 6 : i32
      %dma_start3A_423 = arith.constant 6 : i32
      %dma_start3A_424 = arith.constant 160 : i32
      %dma_start3A_425 = arith.constant 0 : i32
      %dma_start3A_426 = tpu.memref_slice %arg7[%dma_start3A_423, %dma_start3A_424, %dma_start3A_425] : memref<8x200x32xf32, #tpu.memory_space<vmem>> -> memref<1x40x32xf32, #tpu.memory_space<vmem>>
      %dma_start3A_427 = tpu.memref_squeeze %dma_start3A_426 : memref<1x40x32xf32, #tpu.memory_space<vmem>> -> memref<40x32xf32, #tpu.memory_space<vmem>>
      %dma_start3A_428 = arith.constant 160 : i32
      %dma_start3A_429 = tpu.memref_slice %arg6[%dma_start3A_422, %dma_start3A_428] : memref<8x200xi32, #tpu.memory_space<vmem>> -> memref<1x40xi32, #tpu.memory_space<vmem>>
      %dma_start3A_430 = tpu.memref_squeeze %dma_start3A_429 : memref<1x40xi32, #tpu.memory_space<vmem>> -> memref<40xi32, #tpu.memory_space<vmem>>
      %dma_start3A_431 = arith.constant 0 : i32
      %dma_start3A_432 = arith.constant 0 : i32
      %dma_start3A_433 = tpu.memref_slice %arg3[%dma_start3A_431, %dma_start3A_432] : memref<1000000x32xf32, #tpu.memory_space<hbm>> -> memref<1000000x32xf32, #tpu.memory_space<hbm>>
      tpu.enqueue_indirect_dma source(%dma_start3A_433 : memref<1000000x32xf32, #tpu.memory_space<hbm>>) target(%dma_start3A_427 : memref<40x32xf32, #tpu.memory_space<vmem>>) offsets(%dma_start3A_430 : memref<40xi32, #tpu.memory_space<vmem>>) semaphore(%arg9 : memref<!tpu.dma_semaphore, #tpu.memory_space<semaphore_mem>>)
      %dma_start3A_434 = arith.constant 7 : i32
      %dma_start3A_435 = arith.constant 7 : i32
      %dma_start3A_436 = arith.constant 0 : i32
      %dma_start3A_437 = arith.constant 0 : i32
      %dma_start3A_438 = tpu.memref_slice %arg7[%dma_start3A_435, %dma_start3A_436, %dma_start3A_437] : memref<8x200x32xf32, #tpu.memory_space<vmem>> -> memref<1x40x32xf32, #tpu.memory_space<vmem>>
      %dma_start3A_439 = tpu.memref_squeeze %dma_start3A_438 : memref<1x40x32xf32, #tpu.memory_space<vmem>> -> memref<40x32xf32, #tpu.memory_space<vmem>>
      %dma_start3A_440 = arith.constant 0 : i32
      %dma_start3A_441 = tpu.memref_slice %arg6[%dma_start3A_434, %dma_start3A_440] : memref<8x200xi32, #tpu.memory_space<vmem>> -> memref<1x40xi32, #tpu.memory_space<vmem>>
      %dma_start3A_442 = tpu.memref_squeeze %dma_start3A_441 : memref<1x40xi32, #tpu.memory_space<vmem>> -> memref<40xi32, #tpu.memory_space<vmem>>
      %dma_start3A_443 = arith.constant 0 : i32
      %dma_start3A_444 = arith.constant 0 : i32
      %dma_start3A_445 = tpu.memref_slice %arg3[%dma_start3A_443, %dma_start3A_444] : memref<1000000x32xf32, #tpu.memory_space<hbm>> -> memref<1000000x32xf32, #tpu.memory_space<hbm>>
      tpu.enqueue_indirect_dma source(%dma_start3A_445 : memref<1000000x32xf32, #tpu.memory_space<hbm>>) target(%dma_start3A_439 : memref<40x32xf32, #tpu.memory_space<vmem>>) offsets(%dma_start3A_442 : memref<40xi32, #tpu.memory_space<vmem>>) semaphore(%arg9 : memref<!tpu.dma_semaphore, #tpu.memory_space<semaphore_mem>>)
      %dma_start3A_446 = arith.constant 7 : i32
      %dma_start3A_447 = arith.constant 7 : i32
      %dma_start3A_448 = arith.constant 40 : i32
      %dma_start3A_449 = arith.constant 0 : i32
      %dma_start3A_450 = tpu.memref_slice %arg7[%dma_start3A_447, %dma_start3A_448, %dma_start3A_449] : memref<8x200x32xf32, #tpu.memory_space<vmem>> -> memref<1x40x32xf32, #tpu.memory_space<vmem>>
      %dma_start3A_451 = tpu.memref_squeeze %dma_start3A_450 : memref<1x40x32xf32, #tpu.memory_space<vmem>> -> memref<40x32xf32, #tpu.memory_space<vmem>>
      %dma_start3A_452 = arith.constant 40 : i32
      %dma_start3A_453 = tpu.memref_slice %arg6[%dma_start3A_446, %dma_start3A_452] : memref<8x200xi32, #tpu.memory_space<vmem>> -> memref<1x40xi32, #tpu.memory_space<vmem>>
      %dma_start3A_454 = tpu.memref_squeeze %dma_start3A_453 : memref<1x40xi32, #tpu.memory_space<vmem>> -> memref<40xi32, #tpu.memory_space<vmem>>
      %dma_start3A_455 = arith.constant 0 : i32
      %dma_start3A_456 = arith.constant 0 : i32
      %dma_start3A_457 = tpu.memref_slice %arg3[%dma_start3A_455, %dma_start3A_456] : memref<1000000x32xf32, #tpu.memory_space<hbm>> -> memref<1000000x32xf32, #tpu.memory_space<hbm>>
      tpu.enqueue_indirect_dma source(%dma_start3A_457 : memref<1000000x32xf32, #tpu.memory_space<hbm>>) target(%dma_start3A_451 : memref<40x32xf32, #tpu.memory_space<vmem>>) offsets(%dma_start3A_454 : memref<40xi32, #tpu.memory_space<vmem>>) semaphore(%arg9 : memref<!tpu.dma_semaphore, #tpu.memory_space<semaphore_mem>>)
      %dma_start3A_458 = arith.constant 7 : i32
      %dma_start3A_459 = arith.constant 7 : i32
      %dma_start3A_460 = arith.constant 80 : i32
      %dma_start3A_461 = arith.constant 0 : i32
      %dma_start3A_462 = tpu.memref_slice %arg7[%dma_start3A_459, %dma_start3A_460, %dma_start3A_461] : memref<8x200x32xf32, #tpu.memory_space<vmem>> -> memref<1x40x32xf32, #tpu.memory_space<vmem>>
      %dma_start3A_463 = tpu.memref_squeeze %dma_start3A_462 : memref<1x40x32xf32, #tpu.memory_space<vmem>> -> memref<40x32xf32, #tpu.memory_space<vmem>>
      %dma_start3A_464 = arith.constant 80 : i32
      %dma_start3A_465 = tpu.memref_slice %arg6[%dma_start3A_458, %dma_start3A_464] : memref<8x200xi32, #tpu.memory_space<vmem>> -> memref<1x40xi32, #tpu.memory_space<vmem>>
      %dma_start3A_466 = tpu.memref_squeeze %dma_start3A_465 : memref<1x40xi32, #tpu.memory_space<vmem>> -> memref<40xi32, #tpu.memory_space<vmem>>
      %dma_start3A_467 = arith.constant 0 : i32
      %dma_start3A_468 = arith.constant 0 : i32
      %dma_start3A_469 = tpu.memref_slice %arg3[%dma_start3A_467, %dma_start3A_468] : memref<1000000x32xf32, #tpu.memory_space<hbm>> -> memref<1000000x32xf32, #tpu.memory_space<hbm>>
      tpu.enqueue_indirect_dma source(%dma_start3A_469 : memref<1000000x32xf32, #tpu.memory_space<hbm>>) target(%dma_start3A_463 : memref<40x32xf32, #tpu.memory_space<vmem>>) offsets(%dma_start3A_466 : memref<40xi32, #tpu.memory_space<vmem>>) semaphore(%arg9 : memref<!tpu.dma_semaphore, #tpu.memory_space<semaphore_mem>>)
      %dma_start3A_470 = arith.constant 7 : i32
      %dma_start3A_471 = arith.constant 7 : i32
      %dma_start3A_472 = arith.constant 120 : i32
      %dma_start3A_473 = arith.constant 0 : i32
      %dma_start3A_474 = tpu.memref_slice %arg7[%dma_start3A_471, %dma_start3A_472, %dma_start3A_473] : memref<8x200x32xf32, #tpu.memory_space<vmem>> -> memref<1x40x32xf32, #tpu.memory_space<vmem>>
      %dma_start3A_475 = tpu.memref_squeeze %dma_start3A_474 : memref<1x40x32xf32, #tpu.memory_space<vmem>> -> memref<40x32xf32, #tpu.memory_space<vmem>>
      %dma_start3A_476 = arith.constant 120 : i32
      %dma_start3A_477 = tpu.memref_slice %arg6[%dma_start3A_470, %dma_start3A_476] : memref<8x200xi32, #tpu.memory_space<vmem>> -> memref<1x40xi32, #tpu.memory_space<vmem>>
      %dma_start3A_478 = tpu.memref_squeeze %dma_start3A_477 : memref<1x40xi32, #tpu.memory_space<vmem>> -> memref<40xi32, #tpu.memory_space<vmem>>
      %dma_start3A_479 = arith.constant 0 : i32
      %dma_start3A_480 = arith.constant 0 : i32
      %dma_start3A_481 = tpu.memref_slice %arg3[%dma_start3A_479, %dma_start3A_480] : memref<1000000x32xf32, #tpu.memory_space<hbm>> -> memref<1000000x32xf32, #tpu.memory_space<hbm>>
      tpu.enqueue_indirect_dma source(%dma_start3A_481 : memref<1000000x32xf32, #tpu.memory_space<hbm>>) target(%dma_start3A_475 : memref<40x32xf32, #tpu.memory_space<vmem>>) offsets(%dma_start3A_478 : memref<40xi32, #tpu.memory_space<vmem>>) semaphore(%arg9 : memref<!tpu.dma_semaphore, #tpu.memory_space<semaphore_mem>>)
      %dma_start3A_482 = arith.constant 7 : i32
      %dma_start3A_483 = arith.constant 7 : i32
      %dma_start3A_484 = arith.constant 160 : i32
      %dma_start3A_485 = arith.constant 0 : i32
      %dma_start3A_486 = tpu.memref_slice %arg7[%dma_start3A_483, %dma_start3A_484, %dma_start3A_485] : memref<8x200x32xf32, #tpu.memory_space<vmem>> -> memref<1x40x32xf32, #tpu.memory_space<vmem>>
      %dma_start3A_487 = tpu.memref_squeeze %dma_start3A_486 : memref<1x40x32xf32, #tpu.memory_space<vmem>> -> memref<40x32xf32, #tpu.memory_space<vmem>>
      %dma_start3A_488 = arith.constant 160 : i32
      %dma_start3A_489 = tpu.memref_slice %arg6[%dma_start3A_482, %dma_start3A_488] : memref<8x200xi32, #tpu.memory_space<vmem>> -> memref<1x40xi32, #tpu.memory_space<vmem>>
      %dma_start3A_490 = tpu.memref_squeeze %dma_start3A_489 : memref<1x40xi32, #tpu.memory_space<vmem>> -> memref<40xi32, #tpu.memory_space<vmem>>
      %dma_start3A_491 = arith.constant 0 : i32
      %dma_start3A_492 = arith.constant 0 : i32
      %dma_start3A_493 = tpu.memref_slice %arg3[%dma_start3A_491, %dma_start3A_492] : memref<1000000x32xf32, #tpu.memory_space<hbm>> -> memref<1000000x32xf32, #tpu.memory_space<hbm>>
      tpu.enqueue_indirect_dma source(%dma_start3A_493 : memref<1000000x32xf32, #tpu.memory_space<hbm>>) target(%dma_start3A_487 : memref<40x32xf32, #tpu.memory_space<vmem>>) offsets(%dma_start3A_490 : memref<40xi32, #tpu.memory_space<vmem>>) semaphore(%arg9 : memref<!tpu.dma_semaphore, #tpu.memory_space<semaphore_mem>>)
      %dma_wait3A = arith.constant 0 : i32
      %dma_wait3A_494 = arith.constant 0 : i32
      %dma_wait3A_495 = arith.constant 0 : i32
      %dma_wait3A_496 = tpu.memref_slice %arg5[%dma_wait3A, %dma_wait3A_494, %dma_wait3A_495] : memref<4096x200x32xf32, #tpu.memory_space<hbm>> -> memref<8x200x32xf32, #tpu.memory_space<hbm>>
      %dma_wait3A_497 = arith.constant 0 : i32
      %dma_wait3A_498 = arith.constant 0 : i32
      %dma_wait3A_499 = arith.constant 0 : i32
      %dma_wait3A_500 = tpu.memref_slice %arg5[%dma_wait3A_497, %dma_wait3A_498, %dma_wait3A_499] : memref<4096x200x32xf32, #tpu.memory_space<hbm>> -> memref<8x200x32xf32, #tpu.memory_space<hbm>>
      tpu.wait_dma2 semaphore(%arg9 : memref<!tpu.dma_semaphore, #tpu.memory_space<semaphore_mem>>) src(%dma_wait3A_500 : memref<8x200x32xf32, #tpu.memory_space<hbm>>) dst(%arg7 : memref<8x200x32xf32, #tpu.memory_space<vmem>>)
      %scan3A_501 = arith.constant 0 : i32
      %scan3A_502 = arith.constant 200 : i32
      %scan3A_503 = arith.addi %scan3A_501, %scan3A_502 : i32
      %scan3A_504 = arith.constant 1 : i32
      scf.for %scan3A_506 = %scan3A_501 to %scan3A_503 step %scan3A_504  : i32 {
        %mul3A_507 = arith.constant 1 : i32
        %mul3A_508 = arith.muli %scan3A_506, %mul3A_507 : i32
        %add3A_509 = arith.constant 0 : i32
        %add3A_510 = arith.addi %add3A_509, %mul3A_508 : i32
        %get3A = arith.index_cast %add3A_510 : i32 to index
        %get3A_511 = arith.constant 0 : index
        %get3A_512 = tpu.vector_load %arg8[%get3A, %get3A_511] {strides = array<i32>} : memref<200x32xf32, #tpu.memory_space<vmem>>, vector<1x16xf32>,
        %get3A_513 = vector.shape_cast %get3A_512 : vector<1x16xf32> to vector<16xf32>
        %get3A_514 = arith.index_cast %add3A_510 : i32 to index
        %get3A_515 = arith.constant 16 : index
        %get3A_516 = tpu.vector_load %arg8[%get3A_514, %get3A_515] {strides = array<i32>} : memref<200x32xf32, #tpu.memory_space<vmem>>, vector<1x16xf32>,
        %get3A_517 = vector.shape_cast %get3A_516 : vector<1x16xf32> to vector<16xf32>
        %get3A_518 = arith.constant 0 : i32
        %get3A_519 = arith.index_cast %get3A_518 : i32 to index
        %get3A_520 = arith.index_cast %add3A_510 : i32 to index
        %get3A_521 = arith.constant 0 : index
        %get3A_522 = tpu.vector_load %arg7[%get3A_519, %get3A_520, %get3A_521] {strides = array<i32>} : memref<8x200x32xf32, #tpu.memory_space<vmem>>, vector<1x1x16xf32>,
        %get3A_523 = vector.shape_cast %get3A_522 : vector<1x1x16xf32> to vector<16xf32>
        %mul3A_524 = arith.mulf %get3A_523, %get3A_513 : vector<16xf32>
        %swap3A = arith.constant 0 : i32
        %swap3A_525 = arith.index_cast %swap3A : i32 to index
        %swap3A_526 = arith.index_cast %add3A_510 : i32 to index
        %swap3A_527 = arith.constant 0 : index
        %swap3A_528 = tpu.vector_load %arg7[%swap3A_525, %swap3A_526, %swap3A_527] {strides = array<i32>} : memref<8x200x32xf32, #tpu.memory_space<vmem>>, vector<1x1x16xf32>,
        %swap3A_529 = vector.shape_cast %swap3A_528 : vector<1x1x16xf32> to vector<16xf32>
        %swap3A_530 = vector.shape_cast %mul3A_524 : vector<16xf32> to vector<1x1x16xf32>
        tpu.vector_store %arg7[%swap3A_525, %swap3A_526, %swap3A_527], %swap3A_530 {strides = array<i32>} : memref<8x200x32xf32, #tpu.memory_space<vmem>>, vector<1x1x16xf32>,
        %get3A_531 = arith.constant 0 : i32
        %get3A_532 = arith.index_cast %get3A_531 : i32 to index
        %get3A_533 = arith.index_cast %add3A_510 : i32 to index
        %get3A_534 = arith.constant 16 : index
        %get3A_535 = tpu.vector_load %arg7[%get3A_532, %get3A_533, %get3A_534] {strides = array<i32>} : memref<8x200x32xf32, #tpu.memory_space<vmem>>, vector<1x1x16xf32>,
        %get3A_536 = vector.shape_cast %get3A_535 : vector<1x1x16xf32> to vector<16xf32>
        %mul3A_537 = arith.mulf %get3A_536, %get3A_517 : vector<16xf32>
        %swap3A_538 = arith.constant 0 : i32
        %swap3A_539 = arith.index_cast %swap3A_538 : i32 to index
        %swap3A_540 = arith.index_cast %add3A_510 : i32 to index
        %swap3A_541 = arith.constant 16 : index
        %swap3A_542 = tpu.vector_load %arg7[%swap3A_539, %swap3A_540, %swap3A_541] {strides = array<i32>} : memref<8x200x32xf32, #tpu.memory_space<vmem>>, vector<1x1x16xf32>,
        %swap3A_543 = vector.shape_cast %swap3A_542 : vector<1x1x16xf32> to vector<16xf32>
        %swap3A_544 = vector.shape_cast %mul3A_537 : vector<16xf32> to vector<1x1x16xf32>
        tpu.vector_store %arg7[%swap3A_539, %swap3A_540, %swap3A_541], %swap3A_544 {strides = array<i32>} : memref<8x200x32xf32, #tpu.memory_space<vmem>>, vector<1x1x16xf32>,
        %get3A_545 = arith.constant 1 : i32
        %get3A_546 = arith.index_cast %get3A_545 : i32 to index
        %get3A_547 = arith.index_cast %add3A_510 : i32 to index
        %get3A_548 = arith.constant 0 : index
        %get3A_549 = tpu.vector_load %arg7[%get3A_546, %get3A_547, %get3A_548] {strides = array<i32>} : memref<8x200x32xf32, #tpu.memory_space<vmem>>, vector<1x1x16xf32>,
        %get3A_550 = vector.shape_cast %get3A_549 : vector<1x1x16xf32> to vector<16xf32>
        %mul3A_551 = arith.mulf %get3A_550, %get3A_513 : vector<16xf32>
        %swap3A_552 = arith.constant 1 : i32
        %swap3A_553 = arith.index_cast %swap3A_552 : i32 to index
        %swap3A_554 = arith.index_cast %add3A_510 : i32 to index
        %swap3A_555 = arith.constant 0 : index
        %swap3A_556 = tpu.vector_load %arg7[%swap3A_553, %swap3A_554, %swap3A_555] {strides = array<i32>} : memref<8x200x32xf32, #tpu.memory_space<vmem>>, vector<1x1x16xf32>,
        %swap3A_557 = vector.shape_cast %swap3A_556 : vector<1x1x16xf32> to vector<16xf32>
        %swap3A_558 = vector.shape_cast %mul3A_551 : vector<16xf32> to vector<1x1x16xf32>
        tpu.vector_store %arg7[%swap3A_553, %swap3A_554, %swap3A_555], %swap3A_558 {strides = array<i32>} : memref<8x200x32xf32, #tpu.memory_space<vmem>>, vector<1x1x16xf32>,
        %get3A_559 = arith.constant 1 : i32
        %get3A_560 = arith.index_cast %get3A_559 : i32 to index
        %get3A_561 = arith.index_cast %add3A_510 : i32 to index
        %get3A_562 = arith.constant 16 : index
        %get3A_563 = tpu.vector_load %arg7[%get3A_560, %get3A_561, %get3A_562] {strides = array<i32>} : memref<8x200x32xf32, #tpu.memory_space<vmem>>, vector<1x1x16xf32>,
        %get3A_564 = vector.shape_cast %get3A_563 : vector<1x1x16xf32> to vector<16xf32>
        %mul3A_565 = arith.mulf %get3A_564, %get3A_517 : vector<16xf32>
        %swap3A_566 = arith.constant 1 : i32
        %swap3A_567 = arith.index_cast %swap3A_566 : i32 to index
        %swap3A_568 = arith.index_cast %add3A_510 : i32 to index
        %swap3A_569 = arith.constant 16 : index
        %swap3A_570 = tpu.vector_load %arg7[%swap3A_567, %swap3A_568, %swap3A_569] {strides = array<i32>} : memref<8x200x32xf32, #tpu.memory_space<vmem>>, vector<1x1x16xf32>,
        %swap3A_571 = vector.shape_cast %swap3A_570 : vector<1x1x16xf32> to vector<16xf32>
        %swap3A_572 = vector.shape_cast %mul3A_565 : vector<16xf32> to vector<1x1x16xf32>
        tpu.vector_store %arg7[%swap3A_567, %swap3A_568, %swap3A_569], %swap3A_572 {strides = array<i32>} : memref<8x200x32xf32, #tpu.memory_space<vmem>>, vector<1x1x16xf32>,
        %get3A_573 = arith.constant 2 : i32
        %get3A_574 = arith.index_cast %get3A_573 : i32 to index
        %get3A_575 = arith.index_cast %add3A_510 : i32 to index
        %get3A_576 = arith.constant 0 : index
        %get3A_577 = tpu.vector_load %arg7[%get3A_574, %get3A_575, %get3A_576] {strides = array<i32>} : memref<8x200x32xf32, #tpu.memory_space<vmem>>, vector<1x1x16xf32>,
        %get3A_578 = vector.shape_cast %get3A_577 : vector<1x1x16xf32> to vector<16xf32>
        %mul3A_579 = arith.mulf %get3A_578, %get3A_513 : vector<16xf32>
        %swap3A_580 = arith.constant 2 : i32
        %swap3A_581 = arith.index_cast %swap3A_580 : i32 to index
        %swap3A_582 = arith.index_cast %add3A_510 : i32 to index
        %swap3A_583 = arith.constant 0 : index
        %swap3A_584 = tpu.vector_load %arg7[%swap3A_581, %swap3A_582, %swap3A_583] {strides = array<i32>} : memref<8x200x32xf32, #tpu.memory_space<vmem>>, vector<1x1x16xf32>,
        %swap3A_585 = vector.shape_cast %swap3A_584 : vector<1x1x16xf32> to vector<16xf32>
        %swap3A_586 = vector.shape_cast %mul3A_579 : vector<16xf32> to vector<1x1x16xf32>
        tpu.vector_store %arg7[%swap3A_581, %swap3A_582, %swap3A_583], %swap3A_586 {strides = array<i32>} : memref<8x200x32xf32, #tpu.memory_space<vmem>>, vector<1x1x16xf32>,
        %get3A_587 = arith.constant 2 : i32
        %get3A_588 = arith.index_cast %get3A_587 : i32 to index
        %get3A_589 = arith.index_cast %add3A_510 : i32 to index
        %get3A_590 = arith.constant 16 : index
        %get3A_591 = tpu.vector_load %arg7[%get3A_588, %get3A_589, %get3A_590] {strides = array<i32>} : memref<8x200x32xf32, #tpu.memory_space<vmem>>, vector<1x1x16xf32>,
        %get3A_592 = vector.shape_cast %get3A_591 : vector<1x1x16xf32> to vector<16xf32>
        %mul3A_593 = arith.mulf %get3A_592, %get3A_517 : vector<16xf32>
        %swap3A_594 = arith.constant 2 : i32
        %swap3A_595 = arith.index_cast %swap3A_594 : i32 to index
        %swap3A_596 = arith.index_cast %add3A_510 : i32 to index
        %swap3A_597 = arith.constant 16 : index
        %swap3A_598 = tpu.vector_load %arg7[%swap3A_595, %swap3A_596, %swap3A_597] {strides = array<i32>} : memref<8x200x32xf32, #tpu.memory_space<vmem>>, vector<1x1x16xf32>,
        %swap3A_599 = vector.shape_cast %swap3A_598 : vector<1x1x16xf32> to vector<16xf32>
        %swap3A_600 = vector.shape_cast %mul3A_593 : vector<16xf32> to vector<1x1x16xf32>
        tpu.vector_store %arg7[%swap3A_595, %swap3A_596, %swap3A_597], %swap3A_600 {strides = array<i32>} : memref<8x200x32xf32, #tpu.memory_space<vmem>>, vector<1x1x16xf32>,
        %get3A_601 = arith.constant 3 : i32
        %get3A_602 = arith.index_cast %get3A_601 : i32 to index
        %get3A_603 = arith.index_cast %add3A_510 : i32 to index
        %get3A_604 = arith.constant 0 : index
        %get3A_605 = tpu.vector_load %arg7[%get3A_602, %get3A_603, %get3A_604] {strides = array<i32>} : memref<8x200x32xf32, #tpu.memory_space<vmem>>, vector<1x1x16xf32>,
        %get3A_606 = vector.shape_cast %get3A_605 : vector<1x1x16xf32> to vector<16xf32>
        %mul3A_607 = arith.mulf %get3A_606, %get3A_513 : vector<16xf32>
        %swap3A_608 = arith.constant 3 : i32
        %swap3A_609 = arith.index_cast %swap3A_608 : i32 to index
        %swap3A_610 = arith.index_cast %add3A_510 : i32 to index
        %swap3A_611 = arith.constant 0 : index
        %swap3A_612 = tpu.vector_load %arg7[%swap3A_609, %swap3A_610, %swap3A_611] {strides = array<i32>} : memref<8x200x32xf32, #tpu.memory_space<vmem>>, vector<1x1x16xf32>,
        %swap3A_613 = vector.shape_cast %swap3A_612 : vector<1x1x16xf32> to vector<16xf32>
        %swap3A_614 = vector.shape_cast %mul3A_607 : vector<16xf32> to vector<1x1x16xf32>
        tpu.vector_store %arg7[%swap3A_609, %swap3A_610, %swap3A_611], %swap3A_614 {strides = array<i32>} : memref<8x200x32xf32, #tpu.memory_space<vmem>>, vector<1x1x16xf32>,
        %get3A_615 = arith.constant 3 : i32
        %get3A_616 = arith.index_cast %get3A_615 : i32 to index
        %get3A_617 = arith.index_cast %add3A_510 : i32 to index
        %get3A_618 = arith.constant 16 : index
        %get3A_619 = tpu.vector_load %arg7[%get3A_616, %get3A_617, %get3A_618] {strides = array<i32>} : memref<8x200x32xf32, #tpu.memory_space<vmem>>, vector<1x1x16xf32>,
        %get3A_620 = vector.shape_cast %get3A_619 : vector<1x1x16xf32> to vector<16xf32>
        %mul3A_621 = arith.mulf %get3A_620, %get3A_517 : vector<16xf32>
        %swap3A_622 = arith.constant 3 : i32
        %swap3A_623 = arith.index_cast %swap3A_622 : i32 to index
        %swap3A_624 = arith.index_cast %add3A_510 : i32 to index
        %swap3A_625 = arith.constant 16 : index
        %swap3A_626 = tpu.vector_load %arg7[%swap3A_623, %swap3A_624, %swap3A_625] {strides = array<i32>} : memref<8x200x32xf32, #tpu.memory_space<vmem>>, vector<1x1x16xf32>,
        %swap3A_627 = vector.shape_cast %swap3A_626 : vector<1x1x16xf32> to vector<16xf32>
        %swap3A_628 = vector.shape_cast %mul3A_621 : vector<16xf32> to vector<1x1x16xf32>
        tpu.vector_store %arg7[%swap3A_623, %swap3A_624, %swap3A_625], %swap3A_628 {strides = array<i32>} : memref<8x200x32xf32, #tpu.memory_space<vmem>>, vector<1x1x16xf32>,
        %get3A_629 = arith.constant 4 : i32
        %get3A_630 = arith.index_cast %get3A_629 : i32 to index
        %get3A_631 = arith.index_cast %add3A_510 : i32 to index
        %get3A_632 = arith.constant 0 : index
        %get3A_633 = tpu.vector_load %arg7[%get3A_630, %get3A_631, %get3A_632] {strides = array<i32>} : memref<8x200x32xf32, #tpu.memory_space<vmem>>, vector<1x1x16xf32>,
        %get3A_634 = vector.shape_cast %get3A_633 : vector<1x1x16xf32> to vector<16xf32>
        %mul3A_635 = arith.mulf %get3A_634, %get3A_513 : vector<16xf32>
        %swap3A_636 = arith.constant 4 : i32
        %swap3A_637 = arith.index_cast %swap3A_636 : i32 to index
        %swap3A_638 = arith.index_cast %add3A_510 : i32 to index
        %swap3A_639 = arith.constant 0 : index
        %swap3A_640 = tpu.vector_load %arg7[%swap3A_637, %swap3A_638, %swap3A_639] {strides = array<i32>} : memref<8x200x32xf32, #tpu.memory_space<vmem>>, vector<1x1x16xf32>,
        %swap3A_641 = vector.shape_cast %swap3A_640 : vector<1x1x16xf32> to vector<16xf32>
        %swap3A_642 = vector.shape_cast %mul3A_635 : vector<16xf32> to vector<1x1x16xf32>
        tpu.vector_store %arg7[%swap3A_637, %swap3A_638, %swap3A_639], %swap3A_642 {strides = array<i32>} : memref<8x200x32xf32, #tpu.memory_space<vmem>>, vector<1x1x16xf32>,
        %get3A_643 = arith.constant 4 : i32
        %get3A_644 = arith.index_cast %get3A_643 : i32 to index
        %get3A_645 = arith.index_cast %add3A_510 : i32 to index
        %get3A_646 = arith.constant 16 : index
        %get3A_647 = tpu.vector_load %arg7[%get3A_644, %get3A_645, %get3A_646] {strides = array<i32>} : memref<8x200x32xf32, #tpu.memory_space<vmem>>, vector<1x1x16xf32>,
        %get3A_648 = vector.shape_cast %get3A_647 : vector<1x1x16xf32> to vector<16xf32>
        %mul3A_649 = arith.mulf %get3A_648, %get3A_517 : vector<16xf32>
        %swap3A_650 = arith.constant 4 : i32
        %swap3A_651 = arith.index_cast %swap3A_650 : i32 to index
        %swap3A_652 = arith.index_cast %add3A_510 : i32 to index
        %swap3A_653 = arith.constant 16 : index
        %swap3A_654 = tpu.vector_load %arg7[%swap3A_651, %swap3A_652, %swap3A_653] {strides = array<i32>} : memref<8x200x32xf32, #tpu.memory_space<vmem>>, vector<1x1x16xf32>,
        %swap3A_655 = vector.shape_cast %swap3A_654 : vector<1x1x16xf32> to vector<16xf32>
        %swap3A_656 = vector.shape_cast %mul3A_649 : vector<16xf32> to vector<1x1x16xf32>
        tpu.vector_store %arg7[%swap3A_651, %swap3A_652, %swap3A_653], %swap3A_656 {strides = array<i32>} : memref<8x200x32xf32, #tpu.memory_space<vmem>>, vector<1x1x16xf32>,
        %get3A_657 = arith.constant 5 : i32
        %get3A_658 = arith.index_cast %get3A_657 : i32 to index
        %get3A_659 = arith.index_cast %add3A_510 : i32 to index
        %get3A_660 = arith.constant 0 : index
        %get3A_661 = tpu.vector_load %arg7[%get3A_658, %get3A_659, %get3A_660] {strides = array<i32>} : memref<8x200x32xf32, #tpu.memory_space<vmem>>, vector<1x1x16xf32>,
        %get3A_662 = vector.shape_cast %get3A_661 : vector<1x1x16xf32> to vector<16xf32>
        %mul3A_663 = arith.mulf %get3A_662, %get3A_513 : vector<16xf32>
        %swap3A_664 = arith.constant 5 : i32
        %swap3A_665 = arith.index_cast %swap3A_664 : i32 to index
        %swap3A_666 = arith.index_cast %add3A_510 : i32 to index
        %swap3A_667 = arith.constant 0 : index
        %swap3A_668 = tpu.vector_load %arg7[%swap3A_665, %swap3A_666, %swap3A_667] {strides = array<i32>} : memref<8x200x32xf32, #tpu.memory_space<vmem>>, vector<1x1x16xf32>,
        %swap3A_669 = vector.shape_cast %swap3A_668 : vector<1x1x16xf32> to vector<16xf32>
        %swap3A_670 = vector.shape_cast %mul3A_663 : vector<16xf32> to vector<1x1x16xf32>
        tpu.vector_store %arg7[%swap3A_665, %swap3A_666, %swap3A_667], %swap3A_670 {strides = array<i32>} : memref<8x200x32xf32, #tpu.memory_space<vmem>>, vector<1x1x16xf32>,
        %get3A_671 = arith.constant 5 : i32
        %get3A_672 = arith.index_cast %get3A_671 : i32 to index
        %get3A_673 = arith.index_cast %add3A_510 : i32 to index
        %get3A_674 = arith.constant 16 : index
        %get3A_675 = tpu.vector_load %arg7[%get3A_672, %get3A_673, %get3A_674] {strides = array<i32>} : memref<8x200x32xf32, #tpu.memory_space<vmem>>, vector<1x1x16xf32>,
        %get3A_676 = vector.shape_cast %get3A_675 : vector<1x1x16xf32> to vector<16xf32>
        %mul3A_677 = arith.mulf %get3A_676, %get3A_517 : vector<16xf32>
        %swap3A_678 = arith.constant 5 : i32
        %swap3A_679 = arith.index_cast %swap3A_678 : i32 to index
        %swap3A_680 = arith.index_cast %add3A_510 : i32 to index
        %swap3A_681 = arith.constant 16 : index
        %swap3A_682 = tpu.vector_load %arg7[%swap3A_679, %swap3A_680, %swap3A_681] {strides = array<i32>} : memref<8x200x32xf32, #tpu.memory_space<vmem>>, vector<1x1x16xf32>,
        %swap3A_683 = vector.shape_cast %swap3A_682 : vector<1x1x16xf32> to vector<16xf32>
        %swap3A_684 = vector.shape_cast %mul3A_677 : vector<16xf32> to vector<1x1x16xf32>
        tpu.vector_store %arg7[%swap3A_679, %swap3A_680, %swap3A_681], %swap3A_684 {strides = array<i32>} : memref<8x200x32xf32, #tpu.memory_space<vmem>>, vector<1x1x16xf32>,
        %get3A_685 = arith.constant 6 : i32
        %get3A_686 = arith.index_cast %get3A_685 : i32 to index
        %get3A_687 = arith.index_cast %add3A_510 : i32 to index
        %get3A_688 = arith.constant 0 : index
        %get3A_689 = tpu.vector_load %arg7[%get3A_686, %get3A_687, %get3A_688] {strides = array<i32>} : memref<8x200x32xf32, #tpu.memory_space<vmem>>, vector<1x1x16xf32>,
        %get3A_690 = vector.shape_cast %get3A_689 : vector<1x1x16xf32> to vector<16xf32>
        %mul3A_691 = arith.mulf %get3A_690, %get3A_513 : vector<16xf32>
        %swap3A_692 = arith.constant 6 : i32
        %swap3A_693 = arith.index_cast %swap3A_692 : i32 to index
        %swap3A_694 = arith.index_cast %add3A_510 : i32 to index
        %swap3A_695 = arith.constant 0 : index
        %swap3A_696 = tpu.vector_load %arg7[%swap3A_693, %swap3A_694, %swap3A_695] {strides = array<i32>} : memref<8x200x32xf32, #tpu.memory_space<vmem>>, vector<1x1x16xf32>,
        %swap3A_697 = vector.shape_cast %swap3A_696 : vector<1x1x16xf32> to vector<16xf32>
        %swap3A_698 = vector.shape_cast %mul3A_691 : vector<16xf32> to vector<1x1x16xf32>
        tpu.vector_store %arg7[%swap3A_693, %swap3A_694, %swap3A_695], %swap3A_698 {strides = array<i32>} : memref<8x200x32xf32, #tpu.memory_space<vmem>>, vector<1x1x16xf32>,
        %get3A_699 = arith.constant 6 : i32
        %get3A_700 = arith.index_cast %get3A_699 : i32 to index
        %get3A_701 = arith.index_cast %add3A_510 : i32 to index
        %get3A_702 = arith.constant 16 : index
        %get3A_703 = tpu.vector_load %arg7[%get3A_700, %get3A_701, %get3A_702] {strides = array<i32>} : memref<8x200x32xf32, #tpu.memory_space<vmem>>, vector<1x1x16xf32>,
        %get3A_704 = vector.shape_cast %get3A_703 : vector<1x1x16xf32> to vector<16xf32>
        %mul3A_705 = arith.mulf %get3A_704, %get3A_517 : vector<16xf32>
        %swap3A_706 = arith.constant 6 : i32
        %swap3A_707 = arith.index_cast %swap3A_706 : i32 to index
        %swap3A_708 = arith.index_cast %add3A_510 : i32 to index
        %swap3A_709 = arith.constant 16 : index
        %swap3A_710 = tpu.vector_load %arg7[%swap3A_707, %swap3A_708, %swap3A_709] {strides = array<i32>} : memref<8x200x32xf32, #tpu.memory_space<vmem>>, vector<1x1x16xf32>,
        %swap3A_711 = vector.shape_cast %swap3A_710 : vector<1x1x16xf32> to vector<16xf32>
        %swap3A_712 = vector.shape_cast %mul3A_705 : vector<16xf32> to vector<1x1x16xf32>
        tpu.vector_store %arg7[%swap3A_707, %swap3A_708, %swap3A_709], %swap3A_712 {strides = array<i32>} : memref<8x200x32xf32, #tpu.memory_space<vmem>>, vector<1x1x16xf32>,
        %get3A_713 = arith.constant 7 : i32
        %get3A_714 = arith.index_cast %get3A_713 : i32 to index
        %get3A_715 = arith.index_cast %add3A_510 : i32 to index
        %get3A_716 = arith.constant 0 : index
        %get3A_717 = tpu.vector_load %arg7[%get3A_714, %get3A_715, %get3A_716] {strides = array<i32>} : memref<8x200x32xf32, #tpu.memory_space<vmem>>, vector<1x1x16xf32>,
        %get3A_718 = vector.shape_cast %get3A_717 : vector<1x1x16xf32> to vector<16xf32>
        %mul3A_719 = arith.mulf %get3A_718, %get3A_513 : vector<16xf32>
        %swap3A_720 = arith.constant 7 : i32
        %swap3A_721 = arith.index_cast %swap3A_720 : i32 to index
        %swap3A_722 = arith.index_cast %add3A_510 : i32 to index
        %swap3A_723 = arith.constant 0 : index
        %swap3A_724 = tpu.vector_load %arg7[%swap3A_721, %swap3A_722, %swap3A_723] {strides = array<i32>} : memref<8x200x32xf32, #tpu.memory_space<vmem>>, vector<1x1x16xf32>,
        %swap3A_725 = vector.shape_cast %swap3A_724 : vector<1x1x16xf32> to vector<16xf32>
        %swap3A_726 = vector.shape_cast %mul3A_719 : vector<16xf32> to vector<1x1x16xf32>
        tpu.vector_store %arg7[%swap3A_721, %swap3A_722, %swap3A_723], %swap3A_726 {strides = array<i32>} : memref<8x200x32xf32, #tpu.memory_space<vmem>>, vector<1x1x16xf32>,
        %get3A_727 = arith.constant 7 : i32
        %get3A_728 = arith.index_cast %get3A_727 : i32 to index
        %get3A_729 = arith.index_cast %add3A_510 : i32 to index
        %get3A_730 = arith.constant 16 : index
        %get3A_731 = tpu.vector_load %arg7[%get3A_728, %get3A_729, %get3A_730] {strides = array<i32>} : memref<8x200x32xf32, #tpu.memory_space<vmem>>, vector<1x1x16xf32>,
        %get3A_732 = vector.shape_cast %get3A_731 : vector<1x1x16xf32> to vector<16xf32>
        %mul3A_733 = arith.mulf %get3A_732, %get3A_517 : vector<16xf32>
        %swap3A_734 = arith.constant 7 : i32
        %swap3A_735 = arith.index_cast %swap3A_734 : i32 to index
        %swap3A_736 = arith.index_cast %add3A_510 : i32 to index
        %swap3A_737 = arith.constant 16 : index
        %swap3A_738 = tpu.vector_load %arg7[%swap3A_735, %swap3A_736, %swap3A_737] {strides = array<i32>} : memref<8x200x32xf32, #tpu.memory_space<vmem>>, vector<1x1x16xf32>,
        %swap3A_739 = vector.shape_cast %swap3A_738 : vector<1x1x16xf32> to vector<16xf32>
        %swap3A_740 = vector.shape_cast %mul3A_733 : vector<16xf32> to vector<1x1x16xf32>
        tpu.vector_store %arg7[%swap3A_735, %swap3A_736, %swap3A_737], %swap3A_740 {strides = array<i32>} : memref<8x200x32xf32, #tpu.memory_space<vmem>>, vector<1x1x16xf32>,
      }
      %scan3A_505 = arith.constant 200 : i32
      "tpu.region"() ({
        %run_scoped3A = tpu.sem_alloc : memref<!tpu.dma_semaphore, #tpu.memory_space<semaphore_mem>>
        %dma_start3A_506 = arith.constant 0 : i32
        %dma_start3A_507 = arith.constant 0 : i32
        %dma_start3A_508 = tpu.memref_slice %arg5[%add3A_14, %dma_start3A_506, %dma_start3A_507] : memref<4096x200x32xf32, #tpu.memory_space<hbm>> -> memref<8x200x32xf32, #tpu.memory_space<hbm>>
        %dma_start3A_509 = arith.constant 0 : i32
        %dma_start3A_510 = arith.constant 0 : i32
        %dma_start3A_511 = tpu.memref_slice %arg5[%add3A_14, %dma_start3A_509, %dma_start3A_510] : memref<4096x200x32xf32, #tpu.memory_space<hbm>> -> memref<8x200x32xf32, #tpu.memory_space<hbm>>
        tpu.enqueue_dma source(%arg7 : memref<8x200x32xf32, #tpu.memory_space<vmem>>) target(%dma_start3A_511 : memref<8x200x32xf32, #tpu.memory_space<hbm>>) target_semaphore(%run_scoped3A : memref<!tpu.dma_semaphore, #tpu.memory_space<semaphore_mem>>)
        %dma_wait3A_512 = arith.constant 0 : i32
        %dma_wait3A_513 = arith.constant 0 : i32
        %dma_wait3A_514 = tpu.memref_slice %arg5[%add3A_14, %dma_wait3A_512, %dma_wait3A_513] : memref<4096x200x32xf32, #tpu.memory_space<hbm>> -> memref<8x200x32xf32, #tpu.memory_space<hbm>>
        %dma_wait3A_515 = arith.constant 0 : i32
        %dma_wait3A_516 = arith.constant 0 : i32
        %dma_wait3A_517 = tpu.memref_slice %arg5[%add3A_14, %dma_wait3A_515, %dma_wait3A_516] : memref<4096x200x32xf32, #tpu.memory_space<hbm>> -> memref<8x200x32xf32, #tpu.memory_space<hbm>>
        tpu.wait_dma2 semaphore(%run_scoped3A : memref<!tpu.dma_semaphore, #tpu.memory_space<semaphore_mem>>) src(%arg7 : memref<8x200x32xf32, #tpu.memory_space<vmem>>) dst(%dma_wait3A_517 : memref<8x200x32xf32, #tpu.memory_space<hbm>>)
        tpu.yield
      }) : () -> ()
    }
    %scan3A_4 = arith.constant 16 : i32
    return
  }
}

</mosaic_0001>

<sc_bundles>
// kernel: _encode.3.cloned.1.call-start
scs
__scs_entry_jumppad:
0x0: {  	(pc) =	sbr.rel $0x88, $3  }
0x1: {  	(tag) =	ssettag $0x0;
	lr =	simm.s32 $0x1  }
0x2: {  	[smem:$0x3F9E] =	sst lr;
	_ =	strace $0xD0000000  }
0x3: {  	_ = 	snop  }
0x4: {  	_ = 	snop  }
0x5: {  	_ = 	snop  }
0x6: {  	_ = 	snop  }
0x7: {  	_ = 	snop  }
__scs_overlays_trampoline_lowered:
0x8: {  	[smem:$0x3FAD] =	sst s0  }
0x9: {  	[smem:$0x3FAE] =	sst s1  }
0xa: {  	[smem:$0x3FAF] =	sst s2  }
0xb: {  	[smem:$0x3FB0] =	sst s3  }
0xc: {  	[smem:$0x3FB1] =	sst s4  }
0xd: {  	[smem:$0x3FB2] =	sst s5  }
0xe: {  	[smem:$0x3FB3] =	sst s6  }
0xf: {  	[smem:$0x3FB4] =	sst s7  }
0x10: {  	[smem:$0x3FB5] =	sst s8  }
0x11: {  	[smem:$0x3FB6] =	sst s9;
	s0 =	simm.s32 @!p0 $0x0  }
0x12: {  	s1 =	sld [smem:$0x3F9C];
	s0 =	simm.s32 @p0 $0x1  }
0x13: {  	[smem:$0x3FB7] =	sst s0;
	s0 =	simm.s32 @!p1 $0x0  }
0x14: {  	s2 =	sld [smem:$0x3F9B];
	s0 =	simm.s32 @p1 $0x1  }
0x15: {  	[smem:$0x3FB8] =	sst s0;
	s0 =	simm.s32 @!p2 $0x0  }
0x16: {  	s3 =	sld [smem:$0x3FDB];
	s0 =	simm.s32 @p2 $0x1  }
0x17: {  	s4 =	simm.s32 $0x1BF5;
	[smem:$0x3FBA] =	sst s0  }
0x18: {  	s0 =	sld [smem:$0x3F9D];
	_ =	swait.ge [sflag:s4], $0x0  }
0x19: {  	s7 =	sld [smem:$0x3F9E]  }
0x1a: {  	s8 =	sadd.s32 $0xFFFFE003, lr  }
0x1b: {  	s9 =	sadd.s32 $0xFFFFFEF7, lr;
	s5 =	simm.s32 $0xFFFFFFFF;
	p2 =	slt.u32 s8, $0xFFFFF086  }
0x1c: {  	p1 =	slt.u32 s9, $0xF7A;
	s5 =	simm.s32 @!p2 $0x0  }
0x1d: {  	s5 =	simm.s32 @p1 $0x1;
	p0 =	seq.s32 s7, s2  }
0x1e: {  	s7 =	smul.u32 @!p0 $0xF7A, s2;
	p2 =	seq.s32 @!p0 s5, $0x0  }
0x1f: {  	s9 =	smul.u32 $0xF7A, s1;
	s8 =	simm.s32 @!p0 $0x1BF5;
	p2 =	por !p2, p0  }
0x20: {  	[sflag:s8] =	ssyncset.s32 @!p0 $0xFFFFF086;
	s6 =	sadd.s32 @!p0 s3, s7;
	s7 =	simm.s32 @!p0 $0x108  }
0x21: {  	s3 =	sadd.s32 s3, s9;
	s6 =	sadd.s32 @!p0 $0x88, s6;
	s7 =	simm.s32 @p2 $0x1082  }
0x22: {  	[simem:s7], [sflag:s8] =	dma.local @!p0 [hbm:s6], $0xF7A  }
0x23: {  	s9 =	sor.u32 $0xD0000000, s2;
	s6 =	simm.s32 $0x108;
	_ =	swait.ge @!p0 [sflag:s8], $0x0  }
0x24: {  	s3 =	sadd.s32 $0x88, s3;
	s6 =	simm.s32 @!p1 $0x1082;
	[sflag:s4] =	ssyncset.s32 $0xFFFFF086  }
0x25: {  	[simem:s6], [sflag:s4] =	dma.local [hbm:s3], $0xF7A  }
0x26: {  	[smem:$0x3F9E] =	sst s1;
	(tag) =	ssettag s2;
	_ =	strace s9  }
0x27: {  	s1 =	sld [smem:$0x3FAE]  }
0x28: {  	s2 =	sld [smem:$0x3FAF]  }
0x29: {  	s4 =	sld [smem:$0x3FB1]  }
0x2a: {  	p0 =	seq.s32 s5, $0x0;
	s5 =	sld [smem:$0x3FB2]  }
0x2b: {  	s6 =	sld [smem:$0x3FB3]  }
0x2c: {  	s7 =	sld [smem:$0x3FB4]  }
0x2d: {  	s3 =	simm.s32 $0x108;
	s8 =	sld [smem:$0x3FB5]  }
0x2e: {  	s3 =	simm.s32 @!p0 $0x1082;
	s9 =	sld [smem:$0x3FB6]  }
0x2f: {  	lr =	sadd.s32 s0, s3;
	s0 =	sld [smem:$0x3FAD]  }
0x30: {  	s3 =	sld [smem:$0x3FB0]  }
0x31: {  	[smem:$0x3FB9] =	sst s10  }
0x32: {  	s10 =	sld [smem:$0x3FB7];
	_ =	sdelay $0x3  }
0x33: {  	p0 =	seq.s32 s10, $0x1;
	s10 =	sld [smem:$0x3FB9];
	_ =	sdelay $0x3  }
0x34: {  	[smem:$0x3FB9] =	sst s10  }
0x35: {  	s10 =	sld [smem:$0x3FB8];
	_ =	sdelay $0x3  }
0x36: {  	p1 =	seq.s32 s10, $0x1;
	s10 =	sld [smem:$0x3FB9];
	_ =	sdelay $0x3  }
0x37: {  	[smem:$0x3FB9] =	sst s10  }
0x38: {  	s10 =	sld [smem:$0x3FBA]  }
0x39: {  	_ = 	snop;
	(pc) =	sbr.ind lr, $3  }
0x3a: {  	_ = 	snop  }
0x3b: {  	_ = 	snop  }
0x3c: {  	p2 =	seq.s32 s10, $0x1;
	s10 =	sld [smem:$0x3FB9]  }
0x3d: {  	_ =	shalt  }
0x3e: {  	_ =	shalt  }
0x3f: {  	_ =	shalt  }
0x40: {  	_ =	shalt  }
0x41: {  	_ =	shalt  }
0x42: {  	_ =	shalt  }
0x43: {  	_ =	shalt  }
0x44: {  	_ =	shalt  }
0x45: {  	_ =	shalt  }
0x46: {  	_ =	shalt  }
0x47: {  	_ =	shalt  }
0x48: {  	_ =	shalt  }
0x49: {  	_ =	shalt  }
0x4a: {  	_ =	shalt  }
0x4b: {  	_ =	shalt  }
0x4c: {  	_ =	shalt  }
0x4d: {  	_ =	shalt  }
0x4e: {  	_ =	shalt  }
0x4f: {  	_ =	shalt  }
0x50: {  	_ =	shalt  }
0x51: {  	_ =	shalt  }
0x52: {  	_ =	shalt  }
0x53: {  	_ =	shalt  }
0x54: {  	_ =	shalt  }
0x55: {  	_ =	shalt  }
0x56: {  	_ =	shalt  }
0x57: {  	_ =	shalt  }
0x58: {  	_ =	shalt  }
0x59: {  	_ =	shalt  }
0x5a: {  	_ =	shalt  }
0x5b: {  	_ =	shalt  }
0x5c: {  	_ =	shalt  }
0x5d: {  	_ =	shalt  }
0x5e: {  	_ =	shalt  }
0x5f: {  	_ =	shalt  }
0x60: {  	_ =	shalt  }
0x61: {  	_ =	shalt  }
0x62: {  	_ =	shalt  }
0x63: {  	_ =	shalt  }
0x64: {  	_ =	shalt  }
0x65: {  	_ =	shalt  }
0x66: {  	_ =	shalt  }
0x67: {  	_ =	shalt  }
0x68: {  	_ =	shalt  }
0x69: {  	_ =	shalt  }
0x6a: {  	_ =	shalt  }
0x6b: {  	_ =	shalt  }
0x6c: {  	_ =	shalt  }
0x6d: {  	_ =	shalt  }
0x6e: {  	_ =	shalt  }
0x6f: {  	_ =	shalt  }
0x70: {  	_ =	shalt  }
0x71: {  	_ =	shalt  }
0x72: {  	_ =	shalt  }
0x73: {  	_ =	shalt  }
0x74: {  	_ =	shalt  }
0x75: {  	_ =	shalt  }
0x76: {  	_ =	shalt  }
0x77: {  	_ =	shalt  }
0x78: {  	_ =	shalt  }
0x79: {  	_ =	shalt  }
0x7a: {  	_ =	shalt  }
0x7b: {  	_ =	shalt  }
0x7c: {  	_ =	shalt  }
0x7d: {  	_ =	shalt  }
0x7e: {  	_ =	shalt  }
0x7f: {  	_ =	shalt  }
0x80: {  	_ =	shalt  }
0x81: {  	_ =	shalt  }
0x82: {  	_ =	shalt  }
0x83: {  	_ =	shalt  }
0x84: {  	_ =	shalt  }
0x85: {  	_ =	shalt  }
0x86: {  	_ =	shalt  }
0x87: {  	_ =	shalt  }
.Lfunc_end0:
.L_simem_size_0:
called_computation.1_lowered:
.L_overlay_start_0:
0x88: {  	s2 =	sld [smem:$0x3FD9]  }
0x89: {  	s3 =	sld [smem:$0x3FFE];
	_ =	sdelay $0x1  }
0x8a: {  	s1 =	srdreg.scid  }
0x8b: {  	s0 =	sand.u32 $0x1, s1  }
0x8c: {  	s17 =	sshll.u32 s0, $0xA;
	s2 =	sadd.s32 s3, s2  }
0x8d: {  	s2 =	sadd.s32 s2, s17  }
0x8e: {  	[smem:$0x3FC5] =	sst s2  }
0x8f: {  	_ = 	snop  }
0x90: {  	s2 =	sld [smem:$0x3FD0];
	(tm) =	ssettm $0x1  }
0x91: {  	s18 =	sld [smem:$0x3FFB];
	_ =	sdelay $0x3  }
0x92: {  	_ =	strace s18  }
0x93: {  	s3 =	sld [smem:$0x3FFC];
	_ =	sdelay $0x3  }
0x94: {  	_ =	strace s3  }
0x95: {  	s3 =	sld [smem:$0x3FFD];
	_ =	sdelay $0x3  }
0x96: {  	_ =	strace s3  }
0x97: {  	_ =	strace $0x8FFFFFFF  }
0x98: {  	s19 =	sld [smem:$0x3FDB];
	_ =	sdelay $0x1  }
0x99: {  	s4 =	simm.s32 $_scs_section_size  }
0x9a: {  	s5 =	simm.s32 $_size__tile_overlayer_lowered;
	s6 =	simm.s32 $_tile_overlayer_lowered  }
0x9b: {  	s22 =	simm.s32 $0x1BFF;
	s21 =	sshll.u32 s6, $0x1;
	s3 =	sadd.s32 s4, s19  }
0x9c: {  	s7 =	simm.s32 $0x0;
	s20 =	sshll.u32 s5, $0x1;
	s5 =	sadd.s32 s21, s3  }
0x9d: {  	[timem:s7], [sflag:s22] =	dma.local [hbm:s5], s20  }
0x9e: {  	_ =	swait.ge [sflag:s22], s20  }
0x9f: {  	s4 =	ssub.s32 $0x0, s20;
	[sflag:s22] =	ssyncset.done $0x0  }
0xa0: {  	[sflag:s22] =	ssyncadd.s32 s4;
	_ =	sdelay $0x1  }
0xa1: {  	s23 =	simm.s32 $0x1B8B  }
0xa2: {  	_ =	swait.ge [sflag:s23], $0x1  }
0xa3: {  	[sflag:s23] =	ssyncset.done $0x0  }
0xa4: {  	s25 =	simm.s32 $0x1B8E;
	s24 =	sld [smem:$0x3FFE];
	[sflag:s23] =	ssyncadd.s32 $0xFFFFFFFF  }
0xa5: {  	s26 =	simm.s32 $execute0_lowered;
	[smem:$0x3FD2] =	sst s25  }
0xa6: {  	s5 =	sshll.u32 s26, $0x1;
	_ =	strace $0x80000046;
	[dreg:$0x1] =	wrdreg $0xFFFFFFFF  }
0xa7: {  	s28 =	simm.s32 $_size_execute0_lowered;
	s3 =	sadd.s32 s3, s5;
	[dreg:$0x0] =	wrdreg $0x0  }
0xa8: {  	s5 =	sshll.u32 s28, $0x1;
	[dreg:$0x2] =	wrdreg s3  }
0xa9: {  	[dreg:$0x3] =	wrdreg s5  }
0xaa: {  	[dreg:$0x4] =	wrdreg $0xC0  }
0xab: {  	_ =	task [dreg:s7], $0x5FFFF  }
0xac: {  	[dreg:$0x1] =	wrdreg $0xFFFFFFFF  }
0xad: {  	[dreg:$0x0] =	wrdreg $0x60  }
0xae: {  	[dreg:$0x2] =	wrdreg s24  }
0xaf: {  	[dreg:$0x3] =	wrdreg s2  }
0xb0: {  	[dreg:$0x4] =	wrdreg $0x9  }
0xb1: {  	_ =	task.clear_ibuf [dreg:s7], $0x5FFFF;
	_ =	strace $0x90000046  }
0xb2: {  	s29 =	simm.s32 $0x9;
	_ =	strace $0x80000048  }
0xb3: {  	_ =	swait.ge [sflag:s29], $0x1  }
0xb4: {  	[sflag:s29] =	ssyncadd.s32 $0xFFFFFFFF  }
0xb5: {  	_ =	strace $0x90000048  }
0xb6: {  	_ =	sfence  }
0xb7: {  	s30 =	sld [smem:$0x0];
	_ =	sdelay $0x2  }
0xb8: {  	s31 =	sshll.u32 s1, $0xD;
	s1 =	sshrl.u32 s1, $0x2  }
0xb9: {  	s3 =	sand.u32 $0x4000, s31;
	s1 =	sadd.s32 s1, s30  }
0xba: {  	s0 =	sor.u32 s3, s0;
	s1 =	sshll.u32 s1, $0x11  }
0xbb: {  	s0 =	sor.u32 s1, s0  }
0xbc: {  	s0 =	sadd.s32 $0x8F2B, s0  }
0xbd: {  	[sflag:s0] =	ssyncadd.remote.s32 $0x1  }
0xbe: {  	_ =	sfence.sel $0xFFFF  }
0xbf: {  	[dreg:$0x0] =	wrdreg $0xFFFFFFFF;
	(pc) =	sbr.abs _section_cstart, $3  }
0xc0: {  	[dreg:$0x1] =	wrdreg $0xFFFFFFFF  }
0xc1: {  	_ =	task.clear_ibuf [dreg:s7], $0x2FFFF;
	_ =	strace $0x9FFFFFFF  }
0xc2: {  	(tm) =	ssettm $0x7FFFFFFF  }
0xc3: {  	_ =	shalt  }
tec
execute0_lowered:
.L_overlay_start_1:
0x0: {  	(tag) =	ssettag $0x1  }
0x1: {  	s0 =	rddreg [dreg:$0x0]  }
0x2: {  	s1 =	simm.s32 $0x0;
	s25 =	srdreg.scid;
	s6 =	stileid.u32  }
0x3: {  	s10 =	simm.s32 $0x2;
	s11 =	simm.s32 $0x28;
	s12 =	simm.s32 $0x640  }
0x4: {  	s21 =	simm.s32 $0x9C40;
	s22 =	simm.s32 $0x4D8;
	s23 =	simm.s32 $0xA140  }
0x5: {  	s24 =	simm.s32 $0x500;
	s28 =	simm.s32 $0xAB40;
	s29 =	simm.s32 $0x550  }
0x6: {  	s30 =	simm.s32 $0xB040;
	s31 =	simm.s32 $0x578;
	s9 =	simm.s32 $0xBA40  }
0x7: {  	s8 =	simm.s32 $0xBF40;
	s13 =	simm.s32 $0x618;
	s14 =	simm.s32 $0xC940  }
0x8: {  	s15 =	simm.s32 $0x1;
	s17 =	simm.s32 $0x0;
	[smem:$0x7FF] =	sst s1  }
0x9: {  	s4 =	sadd.s32 $0xC00, s0;
	s1 =	sand.u32 $0x1, s25;
	s5 =	sadd.s32 $0xF43000, s0  }
0xa: {  	s6 =	sshll.u32 s6, $0x8;
	s0 =	sadd.s32 $0x19C00, s0;
	s25 =	simm.s32 $0xA640  }
0xb: {  	_ =	strace $0x80000047;
	s2 =	ssub.s32 $0x2, s1;
	s1 =	sshll.u32 s1, $0x7  }
0xc: {  	[dreg:$0x3] =	wrdreg s0;
	s3 =	sshrl.u32 s2, $0x1;
	s7 =	sor.u32 s1, s6  }
0xd: {  	s6 =	simm.s32 $0x5C8;
	s1 =	simm.s32 $0x5F0;
	s26 =	ssub.s32 s2, s3  }
0xe: {  	s3 =	simm.s32 $0x5A0;
	s2 =	simm.s32 $0xC440;
	s0 =	smax.u32 s26, $0x1  }
0xf: {  	s26 =	simm.s32 $0x528;
	[dreg:$0x4] =	wrdreg s0;
	s0 =	simm.s32 $0xB540  }
.LBB2_1:
0x10: {  	[dreg:$0x5] =	wrdreg s17  }
0x11: {  	s16 =	simm.s32 $0x0;
	s20 =	rddreg [dreg:$0x3];
	s18 =	simm.s32 $0xCE40  }
0x12: {  	[tilespmem:s18], [sflag:$0x2] =	stream.linear.gather [hbm4b:s20+s16], $0x1900, $0x38;
	[tilespmem:$0xE740] =	vst v63  }
0x13: {  	_ =	swait.ge [sflag:s10], $0x1900  }
0x14: {  	[sflag:s10] =	ssyncset.done $0x0  }
0x15: {  	s16 =	simm.s32 $0x0;
	[sflag:s10] =	ssyncadd.s32 $0xFFFFE700  }
.LBB2_2:
0x16: {  	s17 =	sshll.u32 s16, $0x3  }
0x17: {  	s17 =	sadd.s32 s7, s17  }
0x18: {  	s18 =	smul.u32 $0x19, s17;
	_ =	sdelay $0x1  }
0x19: {  	s19 =	simm.s32 $0x0;
	s18 =	sadd.s32 s4, s18  }
0x1a: {  	[tilespmem:s19], [sflag:$0x2] =	stream.linear.gather [hbm4b:s18+s19], $0x640, $0x38;
	[tilespmem:$0xE740] =	vst v63  }
0x1b: {  	_ =	swait.ge [sflag:s10], $0x640  }
0x1c: {  	[sflag:s10] =	ssyncset.done $0x0  }
0x1d: {  	[sflag:s10] =	ssyncadd.s32 $0xFFFFF9C0  }
0x1e: {  	[tilespmem:s12], [sflag:$0x1] =	stream.indirect.gather [hbm4b:s5+s11], $0x20, s19, s11, $0xb8;
	[tilespmem:$0xE740] =	vst v63  }
0x1f: {  	s20 =	simm.s32 $0xB40  }
0x20: {  	[tilespmem:s20], [sflag:$0x1] =	stream.indirect.gather [hbm4b:s5+s11], $0x20, s11, s11, $0xb8;
	[tilespmem:$0xE740] =	vst v63  }
0x21: {  	s19 =	simm.s32 $0x50;
	s20 =	simm.s32 $0x1040  }
0x22: {  	[tilespmem:s20], [sflag:$0x1] =	stream.indirect.gather [hbm4b:s5+s11], $0x20, s19, s11, $0xb8;
	[tilespmem:$0xE740] =	vst v63  }
0x23: {  	s19 =	simm.s32 $0x78;
	s20 =	simm.s32 $0x1540  }
0x24: {  	[tilespmem:s20], [sflag:$0x1] =	stream.indirect.gather [hbm4b:s5+s11], $0x20, s19, s11, $0xb8;
	[tilespmem:$0xE740] =	vst v63  }
0x25: {  	s19 =	simm.s32 $0xA0;
	s20 =	simm.s32 $0x1A40  }
0x26: {  	[tilespmem:s20], [sflag:$0x1] =	stream.indirect.gather [hbm4b:s5+s11], $0x20, s19, s11, $0xb8;
	[tilespmem:$0xE740] =	vst v63  }
0x27: {  	s19 =	simm.s32 $0xC8;
	s20 =	simm.s32 $0x1F40  }
0x28: {  	[tilespmem:s20], [sflag:$0x1] =	stream.indirect.gather [hbm4b:s5+s11], $0x20, s19, s11, $0xb8;
	[tilespmem:$0xE740] =	vst v63  }
0x29: {  	s19 =	simm.s32 $0xF0;
	s20 =	simm.s32 $0x2440  }
0x2a: {  	[tilespmem:s20], [sflag:$0x1] =	stream.indirect.gather [hbm4b:s5+s11], $0x20, s19, s11, $0xb8;
	[tilespmem:$0xE740] =	vst v63  }
0x2b: {  	s19 =	simm.s32 $0x118;
	s20 =	simm.s32 $0x2940  }
0x2c: {  	[tilespmem:s20], [sflag:$0x1] =	stream.indirect.gather [hbm4b:s5+s11], $0x20, s19, s11, $0xb8;
	[tilespmem:$0xE740] =	vst v63  }
0x2d: {  	s19 =	simm.s32 $0x140;
	s20 =	simm.s32 $0x2E40  }
0x2e: {  	[tilespmem:s20], [sflag:$0x1] =	stream.indirect.gather [hbm4b:s5+s11], $0x20, s19, s11, $0xb8;
	[tilespmem:$0xE740] =	vst v63  }
0x2f: {  	s19 =	simm.s32 $0x168;
	s20 =	simm.s32 $0x3340  }
0x30: {  	[tilespmem:s20], [sflag:$0x1] =	stream.indirect.gather [hbm4b:s5+s11], $0x20, s19, s11, $0xb8;
	[tilespmem:$0xE740] =	vst v63  }
0x31: {  	s19 =	simm.s32 $0x190;
	s20 =	simm.s32 $0x3840  }
0x32: {  	[tilespmem:s20], [sflag:$0x1] =	stream.indirect.gather [hbm4b:s5+s11], $0x20, s19, s11, $0xb8;
	[tilespmem:$0xE740] =	vst v63  }
0x33: {  	s19 =	simm.s32 $0x1B8;
	s20 =	simm.s32 $0x3D40  }
0x34: {  	[tilespmem:s20], [sflag:$0x1] =	stream.indirect.gather [hbm4b:s5+s11], $0x20, s19, s11, $0xb8;
	[tilespmem:$0xE740] =	vst v63  }
0x35: {  	s19 =	simm.s32 $0x1E0;
	s20 =	simm.s32 $0x4240  }
0x36: {  	[tilespmem:s20], [sflag:$0x1] =	stream.indirect.gather [hbm4b:s5+s11], $0x20, s19, s11, $0xb8;
	[tilespmem:$0xE740] =	vst v63  }
0x37: {  	s19 =	simm.s32 $0x208;
	s20 =	simm.s32 $0x4740  }
0x38: {  	[tilespmem:s20], [sflag:$0x1] =	stream.indirect.gather [hbm4b:s5+s11], $0x20, s19, s11, $0xb8;
	[tilespmem:$0xE740] =	vst v63  }
0x39: {  	s19 =	simm.s32 $0x230;
	s20 =	simm.s32 $0x4C40  }
0x3a: {  	[tilespmem:s20], [sflag:$0x1] =	stream.indirect.gather [hbm4b:s5+s11], $0x20, s19, s11, $0xb8;
	[tilespmem:$0xE740] =	vst v63  }
0x3b: {  	s19 =	simm.s32 $0x258;
	s20 =	simm.s32 $0x5140  }
0x3c: {  	[tilespmem:s20], [sflag:$0x1] =	stream.indirect.gather [hbm4b:s5+s11], $0x20, s19, s11, $0xb8;
	[tilespmem:$0xE740] =	vst v63  }
0x3d: {  	s19 =	simm.s32 $0x280;
	s20 =	simm.s32 $0x5640  }
0x3e: {  	[tilespmem:s20], [sflag:$0x1] =	stream.indirect.gather [hbm4b:s5+s11], $0x20, s19, s11, $0xb8;
	[tilespmem:$0xE740] =	vst v63  }
0x3f: {  	s19 =	simm.s32 $0x2A8;
	s20 =	simm.s32 $0x5B40  }
0x40: {  	[tilespmem:s20], [sflag:$0x1] =	stream.indirect.gather [hbm4b:s5+s11], $0x20, s19, s11, $0xb8;
	[tilespmem:$0xE740] =	vst v63  }
0x41: {  	s19 =	simm.s32 $0x2D0;
	s20 =	simm.s32 $0x6040  }
0x42: {  	[tilespmem:s20], [sflag:$0x1] =	stream.indirect.gather [hbm4b:s5+s11], $0x20, s19, s11, $0xb8;
	[tilespmem:$0xE740] =	vst v63  }
0x43: {  	s19 =	simm.s32 $0x2F8;
	s20 =	simm.s32 $0x6540  }
0x44: {  	[tilespmem:s20], [sflag:$0x1] =	stream.indirect.gather [hbm4b:s5+s11], $0x20, s19, s11, $0xb8;
	[tilespmem:$0xE740] =	vst v63  }
0x45: {  	s19 =	simm.s32 $0x320;
	s20 =	simm.s32 $0x6A40  }
0x46: {  	[tilespmem:s20], [sflag:$0x1] =	stream.indirect.gather [hbm4b:s5+s11], $0x20, s19, s11, $0xb8;
	[tilespmem:$0xE740] =	vst v63  }
0x47: {  	s19 =	simm.s32 $0x348;
	s20 =	simm.s32 $0x6F40  }
0x48: {  	[tilespmem:s20], [sflag:$0x1] =	stream.indirect.gather [hbm4b:s5+s11], $0x20, s19, s11, $0xb8;
	[tilespmem:$0xE740] =	vst v63  }
0x49: {  	s19 =	simm.s32 $0x370;
	s20 =	simm.s32 $0x7440  }
0x4a: {  	[tilespmem:s20], [sflag:$0x1] =	stream.indirect.gather [hbm4b:s5+s11], $0x20, s19, s11, $0xb8;
	[tilespmem:$0xE740] =	vst v63  }
0x4b: {  	s19 =	simm.s32 $0x398;
	s20 =	simm.s32 $0x7940  }
0x4c: {  	[tilespmem:s20], [sflag:$0x1] =	stream.indirect.gather [hbm4b:s5+s11], $0x20, s19, s11, $0xb8;
	[tilespmem:$0xE740] =	vst v63  }
0x4d: {  	s19 =	simm.s32 $0x3C0;
	s20 =	simm.s32 $0x7E40  }
0x4e: {  	[tilespmem:s20], [sflag:$0x1] =	stream.indirect.gather [hbm4b:s5+s11], $0x20, s19, s11, $0xb8;
	[tilespmem:$0xE740] =	vst v63  }
0x4f: {  	s19 =	simm.s32 $0x3E8;
	s20 =	simm.s32 $0x8340  }
0x50: {  	[tilespmem:s20], [sflag:$0x1] =	stream.indirect.gather [hbm4b:s5+s11], $0x20, s19, s11, $0xb8;
	[tilespmem:$0xE740] =	vst v63  }
0x51: {  	s19 =	simm.s32 $0x410;
	s20 =	simm.s32 $0x8840  }
0x52: {  	[tilespmem:s20], [sflag:$0x1] =	stream.indirect.gather [hbm4b:s5+s11], $0x20, s19, s11, $0xb8;
	[tilespmem:$0xE740] =	vst v63  }
0x53: {  	s19 =	simm.s32 $0x438;
	s20 =	simm.s32 $0x8D40  }
0x54: {  	[tilespmem:s20], [sflag:$0x1] =	stream.indirect.gather [hbm4b:s5+s11], $0x20, s19, s11, $0xb8;
	[tilespmem:$0xE740] =	vst v63  }
0x55: {  	s19 =	simm.s32 $0x460;
	s20 =	simm.s32 $0x9240  }
0x56: {  	[tilespmem:s20], [sflag:$0x1] =	stream.indirect.gather [hbm4b:s5+s11], $0x20, s19, s11, $0xb8;
	[tilespmem:$0xE740] =	vst v63  }
0x57: {  	s19 =	simm.s32 $0x488;
	s20 =	simm.s32 $0x9740  }
0x58: {  	[tilespmem:s20], [sflag:$0x1] =	stream.indirect.gather [hbm4b:s5+s11], $0x20, s19, s11, $0xb8;
	[tilespmem:$0xE740] =	vst v63  }
0x59: {  	s20 =	simm.s32 $0x4B0  }
0x5a: {  	[tilespmem:s21], [sflag:$0x1] =	stream.indirect.gather [hbm4b:s5+s11], $0x20, s20, s11, $0xb8;
	[tilespmem:$0xE740] =	vst v63  }
0x5b: {  	_ = 	snop  }
0x5c: {  	[tilespmem:s23], [sflag:$0x1] =	stream.indirect.gather [hbm4b:s5+s11], $0x20, s22, s11, $0xb8;
	[tilespmem:$0xE740] =	vst v63  }
0x5d: {  	_ = 	snop  }
0x5e: {  	[tilespmem:s25], [sflag:$0x1] =	stream.indirect.gather [hbm4b:s5+s11], $0x20, s24, s11, $0xb8;
	[tilespmem:$0xE740] =	vst v63  }
0x5f: {  	_ = 	snop  }
0x60: {  	[tilespmem:s28], [sflag:$0x1] =	stream.indirect.gather [hbm4b:s5+s11], $0x20, s26, s11, $0xb8;
	[tilespmem:$0xE740] =	vst v63  }
0x61: {  	_ = 	snop  }
0x62: {  	[tilespmem:s30], [sflag:$0x1] =	stream.indirect.gather [hbm4b:s5+s11], $0x20, s29, s11, $0xb8;
	[tilespmem:$0xE740] =	vst v63  }
0x63: {  	_ = 	snop  }
0x64: {  	[tilespmem:s0], [sflag:$0x1] =	stream.indirect.gather [hbm4b:s5+s11], $0x20, s31, s11, $0xb8;
	[tilespmem:$0xE740] =	vst v63  }
0x65: {  	_ = 	snop  }
0x66: {  	[tilespmem:s9], [sflag:$0x1] =	stream.indirect.gather [hbm4b:s5+s11], $0x20, s3, s11, $0xb8;
	[tilespmem:$0xE740] =	vst v63  }
0x67: {  	_ = 	snop  }
0x68: {  	[tilespmem:s8], [sflag:$0x1] =	stream.indirect.gather [hbm4b:s5+s11], $0x20, s6, s11, $0xb8;
	[tilespmem:$0xE740] =	vst v63  }
0x69: {  	_ = 	snop  }
0x6a: {  	[tilespmem:s2], [sflag:$0x1] =	stream.indirect.gather [hbm4b:s5+s11], $0x20, s1, s11, $0xb8;
	[tilespmem:$0xE740] =	vst v63  }
0x6b: {  	_ = 	snop  }
0x6c: {  	[tilespmem:s14], [sflag:$0x1] =	stream.indirect.gather [hbm4b:s5+s11], $0x20, s13, s11, $0xb8;
	[tilespmem:$0xE740] =	vst v63  }
0x6d: {  	_ =	swait.ge [sflag:s15], $0xC800  }
0x6e: {  	[sflag:s15] =	ssyncset.done $0x0  }
0x6f: {  	s18 =	simm.s32 $0x0;
	[sflag:s15] =	ssyncadd.s32 $0xFFFF3800  }
0x70: {  	v1 =	vld [tilespmem:s18+$0xCE40]  }
0x71: {  	v0 =	vld [tilespmem:s18+$0xCE50]  }
0x72: {  	v2 =	vld [tilespmem:s18+$0x640]  }
0x73: {  	v3 =	vld [tilespmem:s18+$0x650]  }
0x74: {  	v4 =	vld [tilespmem:s18+$0x1F40]  }
0x75: {  	v5 =	vld [tilespmem:s18+$0x1F50]  }
0x76: {  	v6 =	vld [tilespmem:s18+$0x3840]  }
0x77: {  	v7 =	vld [tilespmem:s18+$0x3850];
	v2 =	vmul.f32 v2, v1  }
0x78: {  	v8 =	vld [tilespmem:s18+$0x5140];
	v3 =	vmul.f32 v3, v0  }
0x79: {  	v9 =	vld [tilespmem:s18+$0x5150];
	[tilespmem:s18+$0x640] =	vst v2;
	v2 =	vmul.f32 v4, v1  }
0x7a: {  	v10 =	vld [tilespmem:s18+$0x6A40];
	[tilespmem:s18+$0x650] =	vst v3;
	v3 =	vmul.f32 v5, v0  }
0x7b: {  	v11 =	vld [tilespmem:s18+$0x6A50];
	[tilespmem:s18+$0x1F40] =	vst v2;
	v2 =	vmul.f32 v6, v1  }
0x7c: {  	v4 =	vmul.f32 v7, v0;
	[tilespmem:s18+$0x1F50] =	vst v3;
	v3 =	vld [tilespmem:s18+$0x8340]  }
0x7d: {  	v5 =	vmul.f32 v8, v1;
	[tilespmem:s18+$0x3840] =	vst v2;
	v2 =	vld [tilespmem:s18+$0x8350]  }
0x7e: {  	[tilespmem:s18+$0x3850] =	vst v4;
	v4 =	vld [tilespmem:s18+$0x9C40];
	v6 =	vmul.f32 v9, v0  }
0x7f: {  	v8 =	vmul.f32 v10, v1;
	[tilespmem:s18+$0x5140] =	vst v5;
	v5 =	vld [tilespmem:s18+$0x9C50]  }
0x80: {  	s19 =	simm.s32 $0x80;
	v7 =	vmul.f32 v11, v0;
	[tilespmem:s18+$0x5150] =	vst v6;
	v6 =	vld [tilespmem:s18+$0xB540]  }
.LBB2_3:
0x81: {  	s20 =	sshra.s32 s19, $0x2;
	p0 =	sne.s32 s19, $0x6380;
	[tilespmem:s18+$0x6A40] =	vst v8;
	v3 =	vmul.f32 v3, v1;
	v8 =	vld [tilespmem:s18+$0xB550]  }
0x82: {  	v9 =	vld [tilespmem:s20+$0xCE40];
	[tilespmem:s18+$0x6A50] =	vst v7;
	v2 =	vmul.f32 v2, v0  }
0x83: {  	v7 =	vld [tilespmem:s20+$0xCE50];
	[tilespmem:s18+$0x8340] =	vst v3;
	v3 =	vmul.f32 v4, v1  }
0x84: {  	v4 =	vld [tilespmem:s20+$0x640];
	[tilespmem:s18+$0x8350] =	vst v2;
	v2 =	vmul.f32 v5, v0  }
0x85: {  	v5 =	vld [tilespmem:s20+$0x650];
	[tilespmem:s18+$0x9C40] =	vst v3;
	v6 =	vmul.f32 v6, v1  }
0x86: {  	v3 =	vld [tilespmem:s20+$0x1F40];
	[tilespmem:s18+$0x9C50] =	vst v2;
	v8 =	vmul.f32 v8, v0  }
0x87: {  	v2 =	vld [tilespmem:s20+$0x1F50];
	[tilespmem:s18+$0xB540] =	vst v6;
	v1 =	vmov v9  }
0x88: {  	v6 =	vld [tilespmem:s20+$0x3840];
	[tilespmem:s18+$0xB550] =	vst v8;
	v0 =	vmov v7;
	s18 =	smov.u32 s20  }
0x89: {  	v4 =	vmul.f32 v4, v1;
	v7 =	vld [tilespmem:s18+$0x3850]  }
0x8a: {  	v5 =	vmul.f32 v5, v0;
	v8 =	vld [tilespmem:s18+$0x5140]  }
0x8b: {  	[tilespmem:s18+$0x640] =	vst v4;
	v3 =	vmul.f32 v3, v1;
	v4 =	vld [tilespmem:s18+$0x5150]  }
0x8c: {  	[tilespmem:s18+$0x650] =	vst v5;
	v2 =	vmul.f32 v2, v0;
	v5 =	vld [tilespmem:s18+$0x6A40]  }
0x8d: {  	[tilespmem:s18+$0x1F40] =	vst v3;
	v6 =	vmul.f32 v6, v1;
	v9 =	vld [tilespmem:s18+$0x6A50]  }
.Ltmp0:
0x8e: {  	[tilespmem:s18+$0x1F50] =	vst v2;
	v7 =	vmul.f32 v7, v0;
	v3 =	vld [tilespmem:s18+$0x8340];
	(pc) =	sbr.rel @p0 .LBB2_3-.Ltmp0, $4  }
0x8f: {  	[tilespmem:s18+$0x3840] =	vst v6;
	v6 =	vmul.f32 v8, v1;
	v2 =	vld [tilespmem:s18+$0x8350]  }
0x90: {  	[tilespmem:s18+$0x3850] =	vst v7;
	v7 =	vmul.f32 v4, v0;
	v4 =	vld [tilespmem:s18+$0x9C40]  }
0x91: {  	[tilespmem:s18+$0x5140] =	vst v6;
	v8 =	vmul.f32 v5, v1;
	v5 =	vld [tilespmem:s18+$0x9C50]  }
0x92: {  	s19 =	sadd.s32 $0x80, s19;
	[tilespmem:s18+$0x5150] =	vst v7;
	v7 =	vmul.f32 v9, v0;
	v6 =	vld [tilespmem:s18+$0xB540]  }
0x93: {  	[tilespmem:s18+$0x6A40] =	vst v8;
	v3 =	vmul.f32 v3, v1;
	v59 =	vld [tilespmem:s18+$0xB550]  }
0x94: {  	[tilespmem:s18+$0x6A50] =	vst v7;
	v2 =	vmul.f32 v2, v0  }
0x95: {  	[tilespmem:s18+$0x8340] =	vst v3;
	v60 =	vmul.f32 v4, v1  }
0x96: {  	[tilespmem:s18+$0x8350] =	vst v2;
	v61 =	vmul.f32 v5, v0  }
0x97: {  	[tilespmem:s18+$0x9C40] =	vst v60;
	v62 =	vmul.f32 v6, v1  }
0x98: {  	s17 =	smul.u32 $0x320, s17;
	s16 =	sadd.s32 $0x1, s16;
	[tilespmem:s18+$0x9C50] =	vst v61;
	v63 =	vmul.f32 v59, v0  }
0x99: {  	s19 =	rddreg [dreg:$0x1];
	p0 =	sne.s32 s16, $0x10;
	[tilespmem:s18+$0xB540] =	vst v62  }
.Ltmp1:
0x9a: {  	s20 =	simm.s32 $0x0;
	s17 =	sadd.s32 s19, s17;
	[tilespmem:s18+$0xB550] =	vst v63;
	(pc) =	sbr.rel @p0 .LBB2_2-.Ltmp1, $4  }
0x9b: {  	[hbm4b:s17+s20] =	stream.linear.scatter [tilespmem:s12], [sflag:$0x2], $0xC800, $0x38;
	[tilespmem:$0xE740] =	vst v63  }
0x9c: {  	_ =	swait.ge [sflag:s10], $0xC800  }
0x9d: {  	[sflag:s10] =	ssyncset.done $0x0  }
0x9e: {  	[sflag:s10] =	ssyncadd.s32 $0xFFFF3800  }
0x9f: {  	s17 =	rddreg [dreg:$0x5]  }
0xa0: {  	s16 =	rddreg [dreg:$0x4];
	s17 =	sadd.s32 $0x1, s17  }
0xa1: {  	p0 =	sne.s32 s17, s16  }
.Ltmp2:
0xa2: {  	_ = 	snop;
	(pc) =	sbr.rel @p0 .LBB2_1-.Ltmp2, $1  }
0xa3: {  	_ =	sdelay $0x3  }
0xa4: {  	_ =	sfence.sel $0x180000  }
0xa5: {  	[bflag:$0x0] =	sbarrier.arrive $0xFFFF  }
0xa6: {  	_ =	strace $0x90000047  }
0xa7: {  	s0 =	stileid.u32;
	[bflag:$0x2] =	sbarrier.arrive $0xFFFF  }
0xa8: {  	p0 =	sne.s32 s0, $0x0;
	s0 =	rddreg [dreg:$0x2]  }
0xa9: {  	s0 =	sadd.s32 @!p0 $0x100000, s0  }
0xaa: {  	[sflag:s0] =	ssyncadd.tile.s32 @!p0 $0x1;
	_ =	shalt  }
.Lfunc_end2:
_tile_overlayer_lowered:
.L_overlay_start_2:
0xab: {  	(tag) =	ssettag $0x2  }
0xac: {  	s0 =	rddreg [dreg:$0x0];
	s2 =	stileid.u32  }
0xad: {  	s1 =	rddreg [dreg:$0x1];
	p0 =	sne.s32 s2, $0x0  }
0xae: {  	s3 =	rddreg [dreg:$0x2];
	[bflag:$0x3] =	sbarrier.arrive $0xFFFF;
	s2 =	simm.s32 @!p0 $0x1C02  }
0xaf: {  	[timem:s3], [sflag:s2] =	dma.local @!p0 [hbm:s0], s1  }
0xb0: {  	s0 =	simm.s32 @!p0 $0x2  }
0xb1: {  	_ =	swait.ge @!p0 [sflag:s0], s1  }
0xb2: {  	s1 =	ssub.s32 @!p0 $0x0, s1;
	[sflag:s0] =	ssyncset.done @!p0 $0x0  }
0xb3: {  	[sflag:s0] =	ssyncadd.s32 @!p0 s1  }
0xb4: {  	[bflag:$0x3] =	sbarrier.arrive $0xFFFF  }
0xb5: {  	_ =	shalt  }

// kernel: sparse-core-data-format-call.cloned.1.call-start
scs
called_computation_lowered:
.L_overlay_start_0:
0x0: {  	s2 =	sld [smem:$0x3FD9]  }
0x1: {  	s3 =	sld [smem:$0x3FFE];
	_ =	sdelay $0x1  }
0x2: {  	s1 =	srdreg.scid  }
0x3: {  	s0 =	sand.u32 $0x1, s1  }
0x4: {  	s18 =	sshll.u32 s0, $0xA;
	s2 =	sadd.s32 s3, s2  }
0x5: {  	s2 =	sadd.s32 s2, s18  }
0x6: {  	[smem:$0x3FC5] =	sst s2  }
0x7: {  	_ = 	snop  }
0x8: {  	s2 =	sld [smem:$0x3FD0];
	(tm) =	ssettm $0x1  }
0x9: {  	s19 =	sld [smem:$0x3FFB];
	_ =	sdelay $0x3  }
0xa: {  	_ =	strace s19  }
0xb: {  	s3 =	sld [smem:$0x3FFC];
	_ =	sdelay $0x3  }
0xc: {  	_ =	strace s3  }
0xd: {  	s3 =	sld [smem:$0x3FFD];
	_ =	sdelay $0x3  }
0xe: {  	_ =	strace s3  }
0xf: {  	_ =	strace $0x8FFFFFFF  }
0x10: {  	s20 =	sld [smem:$0x3FDB];
	_ =	sdelay $0x1  }
0x11: {  	s4 =	simm.s32 $_scs_section_size  }
0x12: {  	s5 =	simm.s32 $_size__tile_overlayer_lowered;
	s6 =	simm.s32 $_tile_overlayer_lowered  }
0x13: {  	s23 =	simm.s32 $0x1BFF;
	s22 =	sshll.u32 s6, $0x1;
	s3 =	sadd.s32 s4, s20  }
0x14: {  	s7 =	simm.s32 $0x0;
	s21 =	sshll.u32 s5, $0x1;
	s5 =	sadd.s32 s22, s3  }
0x15: {  	[timem:s7], [sflag:s23] =	dma.local [hbm:s5], s21  }
0x16: {  	_ =	swait.ge [sflag:s23], s21  }
0x17: {  	s4 =	ssub.s32 $0x0, s21;
	[sflag:s23] =	ssyncset.done $0x0  }
0x18: {  	[sflag:s23] =	ssyncadd.s32 s4;
	_ =	sdelay $0x1  }
0x19: {  	s24 =	simm.s32 $0x1B8B  }
0x1a: {  	_ =	swait.ge [sflag:s24], $0x1  }
0x1b: {  	[sflag:s24] =	ssyncset.done $0x0  }
0x1c: {  	s26 =	simm.s32 $0x1B8E;
	s25 =	sld [smem:$0x3FFE];
	[sflag:s24] =	ssyncadd.s32 $0xFFFFFFFF  }
0x1d: {  	s27 =	simm.s32 $execute0_lowered;
	[smem:$0x3FD2] =	sst s26  }
0x1e: {  	s5 =	sshll.u32 s27, $0x1;
	_ =	strace $0x80000049;
	[dreg:$0x1] =	wrdreg $0xFFFFFFFF  }
0x1f: {  	s28 =	simm.s32 $_size_execute0_lowered;
	s3 =	sadd.s32 s3, s5;
	[dreg:$0x0] =	wrdreg $0x0  }
0x20: {  	s5 =	sshll.u32 s28, $0x1;
	[dreg:$0x2] =	wrdreg s3  }
0x21: {  	[dreg:$0x3] =	wrdreg s5  }
0x22: {  	[dreg:$0x4] =	wrdreg $0xC0  }
0x23: {  	_ =	task [dreg:s7], $0x5FFFF  }
0x24: {  	[dreg:$0x1] =	wrdreg $0xFFFFFFFF  }
0x25: {  	[dreg:$0x0] =	wrdreg $0x60  }
0x26: {  	[dreg:$0x2] =	wrdreg s25  }
0x27: {  	[dreg:$0x3] =	wrdreg s2  }
0x28: {  	[dreg:$0x4] =	wrdreg $0x9  }
0x29: {  	_ =	task.clear_ibuf [dreg:s7], $0x5FFFF;
	_ =	strace $0x90000049  }
0x2a: {  	s29 =	simm.s32 $0x9;
	_ =	strace $0x8000004B  }
0x2b: {  	_ =	swait.ge [sflag:s29], $0x1  }
0x2c: {  	[sflag:s29] =	ssyncadd.s32 $0xFFFFFFFF  }
0x2d: {  	_ =	strace $0x9000004B  }
0x2e: {  	_ =	sfence  }
0x2f: {  	s30 =	sld [smem:$0x0];
	_ =	sdelay $0x2  }
0x30: {  	s31 =	sshll.u32 s1, $0xD;
	s1 =	sshrl.u32 s1, $0x2  }
0x31: {  	s3 =	sand.u32 $0x4000, s31;
	s1 =	sadd.s32 s1, s30  }
0x32: {  	s0 =	sor.u32 s3, s0;
	s1 =	sshll.u32 s1, $0x11  }
0x33: {  	s0 =	sor.u32 s1, s0  }
0x34: {  	s0 =	sadd.s32 $0x8F2B, s0  }
0x35: {  	[sflag:s0] =	ssyncadd.remote.s32 $0x1  }
0x36: {  	_ =	sfence.sel $0xFFFF  }
0x37: {  	[dreg:$0x0] =	wrdreg $0xFFFFFFFF;
	(pc) =	sbr.abs _section_cstart, $3  }
0x38: {  	[dreg:$0x1] =	wrdreg $0xFFFFFFFF  }
0x39: {  	_ =	task.clear_ibuf [dreg:s7], $0x2FFFF;
	_ =	strace $0x9FFFFFFF  }
0x3a: {  	(tm) =	ssettm $0x7FFFFFFF  }
0x3b: {  	_ =	shalt  }
tec
execute0_lowered:
.L_overlay_start_1:
0x0: {  	(tag) =	ssettag $0x1  }
0x1: {  	s0 =	srdreg.scid  }
0x2: {  	s1 =	sshll.u32 s0, $0x4  }
0x3: {  	s0 =	stileid.u32;
	s1 =	sand.u32 $0x10, s1  }
0x4: {  	s1 =	sor.u32 s0, s1  }
0x5: {  	s6 =	rddreg [dreg:$0x0];
	s4 =	simm.s32 $0x1;
	s2 =	sshll.u32 s1, $0x7  }
0x6: {  	s7 =	simm.s32 $0x2;
	s12 =	simm.s32 $0x0;
	s1 =	ssub.s32 $0x1000, s2  }
0x7: {  	s8 =	simm.s32 $0x8000;
	s13 =	simm.s32 $0x0;
	s3 =	sand.u32 $0xF80, s1  }
0x8: {  	s9 =	simm.s32 $0x0;
	s5 =	sshrl.u32 s1, $0xC;
	p0 =	sne.s32 s3, $0x0  }
.Ltmp0:
0x9: {  	s1 =	rddreg [dreg:$0x2];
	s4 =	simm.s32 @!p0 $0x0;
	(pc) =	sbr.rel .LBB1_1-.Ltmp0, $4  }
0xa: {  	s11 =	simm.s32 $0x0;
	s3 =	rddreg [dreg:$0x1];
	s5 =	sadd.s32 s4, s5  }
0xb: {  	_ =	strace $0x8000004A;
	s4 =	simm.s32 $0x1;
	s5 =	smul.u32 $0xC8, s5  }
0xc: {  	s6 =	sadd.s32 $0xC00, s6;
	s10 =	smov.u32 s2;
	[sflag:s4] =	ssyncpa.u1 $0x0  }
0xd: {  	p0 =	por $0x0, $0x0;
	[sflag:s7] =	ssyncpa.u1 $0x0;
	s7 =	sor.u32 $0x1, s5  }
.LBB1_4:
0xe: {  	s16 =	sshll.u32 s13, $0x3;
	s17 =	sand.u32 $0x78, s13  }
0xf: {  	s30 =	sand.u32 $0x3E00, s13;
	s12 =	sshll.u32 s12, $0xE;
	s16 =	sand.u32 $0xC00, s16  }
0x10: {  	s31 =	sand.u32 $0x7, s13;
	s16 =	sor.u32 s17, s16;
	s17 =	sadd.s32 s3, s30  }
0x11: {  	s13 =	sshll.u32 s31, $0x12;
	s16 =	sshrl.u32 s16, $0x3;
	s12 =	sadd.s32 s12, s17  }
0x12: {  	[tilespmem:s15+$0x0 ss:$0x81] =	vst.msk $0xffff, v0;
	s13 =	sor.u32 $0x400, s13;
	s12 =	sadd.s32 s16, s12  }
0x13: {  	[hbm4b:s12+s13] =	stream.strided.scatter [tilespmem:s14], [sflag:$0x2], $0x1000, s8, s13, $0x20;
	[tilespmem:$0x4040] =	vst v63  }
.LBB1_5:
0x14: {  	s14 =	sadd.s32 $0x1, s9  }
0x15: {  	s12 =	sadd.s32 $0x1000, s10;
	s16 =	smov.u32 s10;
	p2 =	sgt.s32 s14, $0xC7  }
0x16: {  	s16 =	smov.u32 @p2 s12  }
0x17: {  	s14 =	simm.s32 @p2 $0x0;
	p2 =	sgt.s32 s16, $0xFFF  }
0x18: {  	s16 =	smov.u32 @p2 s2;
	p2 =	sne.s32 s11, s7  }
.Ltmp1:
0x19: {  	p1 =	slt.u32 s11, $0x2;
	(pc) =	sbr.rel @!p2 .LBB1_6-.Ltmp1, $4  }
0x1a: {  	s15 =	simm.s32 @!p1 $0x2  }
0x1b: {  	s13 =	smov.u32 s10;
	p0 =	por !p0, !p0;
	_ =	swait.ge @!p1 [sflag:s15], $0x1000  }
0x1c: {  	s12 =	smov.u32 s9;
	[sflag:s15] =	ssyncset.done @!p1 $0x0;
	s9 =	smov.u32 s14  }
0x1d: {  	s11 =	sadd.s32 $0x1, s11;
	[sflag:s15] =	ssyncadd.s32 @!p1 $0xFFFFF000;
	s10 =	smov.u32 s16  }
.LBB1_1:
0x1e: {  	p1 =	sge.u32 s11, s5  }
0x1f: {  	s14 =	sand.u32 @!p1 $0x1FFFFFF, s9  }
0x20: {  	s15 =	smulhi.u32 @!p1 $0x147AE15, s14;
	_ =	sdelay $0x1  }
0x21: {  	s15 =	smul.u32 @!p1 $0xC8, s15  }
0x22: {  	s16 =	sxor.u32 @!p1 $0xFFFFFFFF, s11;
	s17 =	smul.u32 @!p1 $0xC80, s10  }
0x23: {  	s31 =	sadd.s32 $0xFFFFFFFF, s11;
	s16 =	sshll.u32 @!p1 s16, $0xC;
	s14 =	ssub.s32 @!p1 s14, s15  }
0x24: {  	s15 =	sand.u32 @!p1 $0x1000, s16;
	s16 =	sadd.s32 @!p1 s6, s17;
	s14 =	sshll.u32 @!p1 s14, $0x4  }
0x25: {  	s17 =	simm.s32 @!p1 $0x6400;
	s14 =	sadd.s32 @!p1 s14, s16;
	s16 =	simm.s32 @!p1 $0x20  }
0x26: {  	[tilespmem:s15], [sflag:$0x1] =	stream.strided.gather @!p1 [hbm4b:s14+s16], $0x1000, s17, s16, $0x38;
	[tilespmem:$0x4040] =	vst v63  }
0x27: {  	p1 =	sge.u32 s31, s5  }
.Ltmp2:
0x28: {  	_ = 	snop;
	(pc) =	sbr.rel @p1 .LBB1_5-.Ltmp2, $1  }
0x29: {  	_ =	sdelay $0x3  }
0x2a: {  	s14 =	simm.s32 $0x1  }
0x2b: {  	_ =	swait.ge [sflag:s4], $0x1000;
	s14 =	simm.s32 @!p0 $0x0  }
0x2c: {  	[sflag:s4] =	ssyncset.done $0x0;
	s15 =	sshll.u32 s14, $0xC  }
0x2d: {  	[sflag:s4] =	ssyncadd.s32 $0xFFFFF000;
	s18 =	sor.u32 $0x10, s15  }
0x2e: {  	s14 =	smul.u32 $0x4080, s14;
	v1 =	vld [tilespmem:s18+$0x0]  }
0x2f: {  	s30 =	sand.u32 $0x1, s11;
	v0 =	vld [tilespmem:s18+$0xFFFFFFF0]  }
0x30: {  	s15 =	smul.u32 $0x4080, s30;
	s14 =	sshrl.u32 s14, $0x2  }
0x31: {  	s16 =	sor.u32 $0x2000, s14  }
0x32: {  	s31 =	sshrl.u32 s15, $0x2;
	s15 =	sadd.s32 $0x0, s16  }
0x33: {  	s17 =	simm.s32 $0x4;
	s18 =	sadd.s32 $0x20, s18;
	s14 =	sor.u32 $0x2000, s31;
	[tilespmem:s15+$0x810 ss:$0x81] =	vst.msk $0xffff, v1  }
.LBB1_3:
0x34: {  	v1 =	vld [tilespmem:s18+$0x0];
	p1 =	sne.s32 s17, $0x1FC;
	[tilespmem:s15+$0x0 ss:$0x81] =	vst.msk $0xffff, v0;
	s15 =	smov.u32 s17;
	s17 =	sadd.s32 $0x4, s17  }
.Ltmp3:
0x35: {  	v0 =	vld [tilespmem:s18+$0xFFFFFFF0];
	(pc) =	sbr.rel @p1 .LBB1_3-.Ltmp3, $4  }
0x36: {  	_ = 	snop  }
0x37: {  	s15 =	sshra.s32 s15, $0x2  }
0x38: {  	s15 =	sadd.s32 s15, s16  }
0x39: {  	s18 =	sadd.s32 $0x20, s18;
	[tilespmem:s15+$0x810 ss:$0x81] =	vst.msk $0xffff, v1  }
.Ltmp4:
0x3a: {  	_ = 	snop;
	(pc) =	sbr.rel .LBB1_4-.Ltmp4, $1  }
0x3b: {  	_ =	sdelay $0x3  }
.LBB1_6:
0x3c: {  	_ =	sfence.sel $0x180000  }
0x3d: {  	s2 =	simm.s32 $0x1;
	[bflag:$0x0] =	sbarrier.arrive $0xFFFF  }
0x3e: {  	s31 =	simm.s32 $0x2;
	[sflag:s2] =	ssyncpa.u1 $0x1  }
0x3f: {  	[sflag:s31] =	ssyncpa.u1 $0x1  }
0x40: {  	p0 =	sne.s32 s0, $0x0;
	_ =	strace $0x9000004A  }
0x41: {  	s0 =	sadd.s32 @!p0 $0x100000, s1;
	[bflag:$0x2] =	sbarrier.arrive $0xFFFF  }
0x42: {  	[sflag:s0] =	ssyncadd.tile.s32 @!p0 $0x1;
	_ =	shalt  }
.Lfunc_end1:
_tile_overlayer_lowered:
.L_overlay_start_2:
0x43: {  	(tag) =	ssettag $0x2  }
0x44: {  	s0 =	rddreg [dreg:$0x0];
	s2 =	stileid.u32  }
0x45: {  	s1 =	rddreg [dreg:$0x1];
	p0 =	sne.s32 s2, $0x0  }
0x46: {  	s3 =	rddreg [dreg:$0x2];
	[bflag:$0x3] =	sbarrier.arrive $0xFFFF;
	s2 =	simm.s32 @!p0 $0x1C01  }
0x47: {  	[timem:s3], [sflag:s2] =	dma.local @!p0 [hbm:s0], s1  }
0x48: {  	s0 =	simm.s32 @!p0 $0x1  }
0x49: {  	_ =	swait.ge @!p0 [sflag:s0], s1  }
0x4a: {  	s1 =	ssub.s32 @!p0 $0x0, s1;
	[sflag:s0] =	ssyncset.done @!p0 $0x0  }
0x4b: {  	[sflag:s0] =	ssyncadd.s32 @!p0 s1  }
0x4c: {  	[bflag:$0x3] =	sbarrier.arrive $0xFFFF  }
0x4d: {  	_ =	shalt  }

</sc_bundles>
